<compile_context>
chip_gen: v7x
topology: tpu7x:2x2x1
jax: 0.10.2.dev20260603
libtpu: 0.0.44.dev20260713+nightly
codegen_flags: <defaults>
</compile_context>

<pallas_src>
import jax
import jax.numpy as jnp
from jax import lax
from jax.experimental import pallas as pl
from jax.experimental.pallas import tpu as pltpu
from jax.experimental.pallas import tpu_sc as plsc

NC = 2
NS = 16
L = 16
L2 = 32

B = 320000
D = 128
PW = B // (NC * NS)
C = 80
N_CHUNKS = PW // C
NBUF = 4


def _body(z_hbm, src_hbm, dst_hbm, out_hbm,
          idx_s, idx_d, rows_s0, rows_d0, rows_s1, rows_d1,
          rows_s2, rows_d2, rows_s3, rows_d3,
          out_v, sem0, sem1, sem2, sem3):
    wid = lax.axis_index("s") * NC + lax.axis_index("c")
    iota = lax.broadcasted_iota(jnp.int32, (L,), 0)
    base = wid * PW

    pltpu.sync_copy(src_hbm.at[pl.ds(base, PW)], idx_s)
    pltpu.sync_copy(dst_hbm.at[pl.ds(base, PW)], idx_d)

    bufs = ((rows_s0, rows_d0, sem0), (rows_s1, rows_d1, sem1),
            (rows_s2, rows_d2, sem2), (rows_s3, rows_d3, sem3))

    def start(ci, b):
        rs, rd, sem = bufs[b]
        sl = pl.ds(ci * C, C)
        pltpu.async_copy(z_hbm.at[idx_s.at[sl]], rs, sem)
        pltpu.async_copy(z_hbm.at[idx_d.at[sl]], rd, sem)

    def wait(b):
        rs, rd, sem = bufs[b]
        pltpu.make_async_copy(z_hbm.at[idx_s.at[pl.ds(0, C)]], rs, sem).wait()
        pltpu.make_async_copy(z_hbm.at[idx_d.at[pl.ds(0, C)]], rd, sem).wait()

    def compute(ci, b):
        rs, rd, _ = bufs[b]

        @pl.loop(0, C // L)
        def _blk(blk):
            @pl.loop(0, L, init_carry=jnp.zeros((L,), jnp.float32),
                     unroll=4)
            def pack(j, pk):
                e = blk * L + j

                def half(ref, k):
                    return plsc.bitcast(ref[e, pl.ds(k * L, L)],
                                        jnp.bfloat16)

                acc = half(rs, 0) * half(rd, 0)
                for k in range(1, 2):
                    acc = acc + half(rs, k) * half(rd, k)
                a, bq = plsc.unpack(acc, format=plsc.PackFormat.INTERLEAVED,
                                    preferred_element_type=jnp.float32)
                s = jnp.sum(a + bq)
                return jnp.where(iota == j, jnp.full((L,), s), pk)

            out_v[pl.ds(ci * C + blk * L, L)] = pack

    for b in range(NBUF):
        start(b, b)

    @pl.loop(0, N_CHUNKS, step=NBUF)
    def _chunk(ci):
        for b in range(NBUF):
            cur = ci + b

            @pl.when(cur < N_CHUNKS)
            def _():
                wait(b)
                compute(cur, b)

                @pl.when(cur + NBUF < N_CHUNKS)
                def _():
                    start(cur + NBUF, b)

    pltpu.sync_copy(out_v, out_hbm.at[pl.ds(base, PW)])


def kernel(z, edge_label_index):
    z_bf = z.astype(jnp.bfloat16)
    z_pk = lax.bitcast_convert_type(z_bf.reshape(10000, D // 2, 2),
                                    jnp.float32)
    idx = edge_label_index.astype(jnp.int32)
    src = idx[0]
    dst = idx[1]
    mesh = plsc.VectorSubcoreMesh(core_axis_name="c", subcore_axis_name="s",
                                  num_cores=NC, num_subcores=NS)
    row_t = pltpu.VMEM((C, D // 2), jnp.float32)
    f = pl.kernel(
        _body,
        out_type=jax.ShapeDtypeStruct((B,), jnp.float32),
        mesh=mesh,
        compiler_params=pltpu.CompilerParams(needs_layout_passes=False, use_tc_tiling_on_sc=False),
        scratch_types=[
            pltpu.VMEM((PW,), jnp.int32),
            pltpu.VMEM((PW,), jnp.int32),
            row_t, row_t, row_t, row_t, row_t, row_t, row_t, row_t,
            pltpu.VMEM((PW,), jnp.float32),
            pltpu.SemaphoreType.DMA,
            pltpu.SemaphoreType.DMA,
            pltpu.SemaphoreType.DMA,
            pltpu.SemaphoreType.DMA,
        ],
    )
    return f(z_pk, src, dst)

# --- scband reference (transcript-rebuilt; emitter-appended) ---
"""Pipeline reference for scband-decoder-2963527434890 (READ-ONLY COPY).

The authoritative reference and input builder live on the scoring server;
editing this copy changes nothing except your own understanding.
"""

import jax, jax.numpy as jnp
import numpy as np

def setup_inputs(seed: int = 0) -> dict:
    key = jax.random.key(seed)
    k1, k2 = jax.random.split(key)
    z = jax.random.normal(k1, (10000, 128), dtype=jnp.float32)
    edge_label_index = jax.random.randint(k2, (2, 320000), 0, 10000, dtype=jnp.int64)
    return {"z": z, "edge_label_index": edge_label_index}

def reference(z, edge_label_index):
    out_src = jnp.take(z, edge_label_index[0], axis=0)
    out_dst = jnp.take(z, edge_label_index[1], axis=0)
    return (out_src * out_dst).sum(axis=-1)

if __name__ == "__main__":
    import jax
    _d = setup_inputs()
    print(jax.jit(kernel)(*tuple(_d.values())))

</pallas_src>

<mosaic_0001>
#map = affine_map<(d0, d1) -> (0, 0)>
#map1 = affine_map<(d0, d1) -> (0)>
module attributes {stable_mosaic.version = 14 : i64} {
  func.func @_body(%arg0: i32, %arg1: i32, %arg2: memref<10000x64xf32, #tpu.memory_space<hbm>>, %arg3: memref<320000xi32, #tpu.memory_space<hbm>>, %arg4: memref<320000xi32, #tpu.memory_space<hbm>>, %arg5: memref<320000xf32, #tpu.memory_space<hbm>>, %arg6: memref<10000xi32, #tpu.memory_space<vmem>>, %arg7: memref<10000xi32, #tpu.memory_space<vmem>>, %arg8: memref<80x64xf32, #tpu.memory_space<vmem>>, %arg9: memref<80x64xf32, #tpu.memory_space<vmem>>, %arg10: memref<80x64xf32, #tpu.memory_space<vmem>>, %arg11: memref<80x64xf32, #tpu.memory_space<vmem>>, %arg12: memref<80x64xf32, #tpu.memory_space<vmem>>, %arg13: memref<80x64xf32, #tpu.memory_space<vmem>>, %arg14: memref<80x64xf32, #tpu.memory_space<vmem>>, %arg15: memref<80x64xf32, #tpu.memory_space<vmem>>, %arg16: memref<10000xf32, #tpu.memory_space<vmem>>, %arg17: memref<!tpu.dma_semaphore, #tpu.memory_space<semaphore_mem>>, %arg18: memref<!tpu.dma_semaphore, #tpu.memory_space<semaphore_mem>>, %arg19: memref<!tpu.dma_semaphore, #tpu.memory_space<semaphore_mem>>, %arg20: memref<!tpu.dma_semaphore, #tpu.memory_space<semaphore_mem>>) attributes {dimension_semantics = [#tpu.dimension_semantics<core_parallel>, #tpu.dimension_semantics<subcore_parallel>], iteration_bounds = array<i64: 2, 16>, scalar_prefetch = 0 : i64, scratch_operands = 15 : i64, tpu.core_type = #tpu.core_type<sc_vector_subcore>, window_params = [{transform_indices = #map}, {transform_indices = #map1}, {transform_indices = #map1}, {transform_indices = #map1}]} {
    %mul3A = arith.constant 2 : i32
    %mul3A_0 = arith.muli %arg1, %mul3A : i32
    %add3A = arith.addi %mul3A_0, %arg0 : i32
    %iota3A = tpu.iota {dimensions = array<i32: 0>} : vector<16xi32>
    %mul3A_1 = arith.constant 10000 : i32
    %mul3A_2 = arith.muli %add3A, %mul3A_1 : i32
    "tpu.region"() ({
      %run_scoped3A = tpu.sem_alloc : memref<!tpu.dma_semaphore, #tpu.memory_space<semaphore_mem>>
      %dma_start3A_46 = tpu.memref_slice %arg3[%mul3A_2] : memref<320000xi32, #tpu.memory_space<hbm>> -> memref<10000xi32, #tpu.memory_space<hbm>>
      %dma_start3A_47 = tpu.memref_slice %arg3[%mul3A_2] : memref<320000xi32, #tpu.memory_space<hbm>> -> memref<10000xi32, #tpu.memory_space<hbm>>
      tpu.enqueue_dma source(%dma_start3A_47 : memref<10000xi32, #tpu.memory_space<hbm>>) target(%arg6 : memref<10000xi32, #tpu.memory_space<vmem>>) target_semaphore(%run_scoped3A : memref<!tpu.dma_semaphore, #tpu.memory_space<semaphore_mem>>)
      %dma_wait3A = tpu.memref_slice %arg3[%mul3A_2] : memref<320000xi32, #tpu.memory_space<hbm>> -> memref<10000xi32, #tpu.memory_space<hbm>>
      %dma_wait3A_48 = tpu.memref_slice %arg3[%mul3A_2] : memref<320000xi32, #tpu.memory_space<hbm>> -> memref<10000xi32, #tpu.memory_space<hbm>>
      tpu.wait_dma2 semaphore(%run_scoped3A : memref<!tpu.dma_semaphore, #tpu.memory_space<semaphore_mem>>) src(%dma_wait3A_48 : memref<10000xi32, #tpu.memory_space<hbm>>) dst(%arg6 : memref<10000xi32, #tpu.memory_space<vmem>>)
      tpu.yield
    }) : () -> ()
    "tpu.region"() ({
      %run_scoped3A = tpu.sem_alloc : memref<!tpu.dma_semaphore, #tpu.memory_space<semaphore_mem>>
      %dma_start3A_46 = tpu.memref_slice %arg4[%mul3A_2] : memref<320000xi32, #tpu.memory_space<hbm>> -> memref<10000xi32, #tpu.memory_space<hbm>>
      %dma_start3A_47 = tpu.memref_slice %arg4[%mul3A_2] : memref<320000xi32, #tpu.memory_space<hbm>> -> memref<10000xi32, #tpu.memory_space<hbm>>
      tpu.enqueue_dma source(%dma_start3A_47 : memref<10000xi32, #tpu.memory_space<hbm>>) target(%arg7 : memref<10000xi32, #tpu.memory_space<vmem>>) target_semaphore(%run_scoped3A : memref<!tpu.dma_semaphore, #tpu.memory_space<semaphore_mem>>)
      %dma_wait3A = tpu.memref_slice %arg4[%mul3A_2] : memref<320000xi32, #tpu.memory_space<hbm>> -> memref<10000xi32, #tpu.memory_space<hbm>>
      %dma_wait3A_48 = tpu.memref_slice %arg4[%mul3A_2] : memref<320000xi32, #tpu.memory_space<hbm>> -> memref<10000xi32, #tpu.memory_space<hbm>>
      tpu.wait_dma2 semaphore(%run_scoped3A : memref<!tpu.dma_semaphore, #tpu.memory_space<semaphore_mem>>) src(%dma_wait3A_48 : memref<10000xi32, #tpu.memory_space<hbm>>) dst(%arg7 : memref<10000xi32, #tpu.memory_space<vmem>>)
      tpu.yield
    }) : () -> ()
    %dma_start3A = arith.constant 0 : i32
    %dma_start3A_3 = tpu.memref_slice %arg6[%dma_start3A] : memref<10000xi32, #tpu.memory_space<vmem>> -> memref<80xi32, #tpu.memory_space<vmem>>
    %dma_start3A_4 = arith.constant 0 : i32
    %dma_start3A_5 = arith.constant 0 : i32
    %dma_start3A_6 = tpu.memref_slice %arg2[%dma_start3A_4, %dma_start3A_5] : memref<10000x64xf32, #tpu.memory_space<hbm>> -> memref<10000x64xf32, #tpu.memory_space<hbm>>
    tpu.enqueue_indirect_dma source(%dma_start3A_6 : memref<10000x64xf32, #tpu.memory_space<hbm>>) target(%arg8 : memref<80x64xf32, #tpu.memory_space<vmem>>) offsets(%dma_start3A_3 : memref<80xi32, #tpu.memory_space<vmem>>) semaphore(%arg17 : memref<!tpu.dma_semaphore, #tpu.memory_space<semaphore_mem>>)
    %dma_start3A_7 = arith.constant 0 : i32
    %dma_start3A_8 = tpu.memref_slice %arg7[%dma_start3A_7] : memref<10000xi32, #tpu.memory_space<vmem>> -> memref<80xi32, #tpu.memory_space<vmem>>
    %dma_start3A_9 = arith.constant 0 : i32
    %dma_start3A_10 = arith.constant 0 : i32
    %dma_start3A_11 = tpu.memref_slice %arg2[%dma_start3A_9, %dma_start3A_10] : memref<10000x64xf32, #tpu.memory_space<hbm>> -> memref<10000x64xf32, #tpu.memory_space<hbm>>
    tpu.enqueue_indirect_dma source(%dma_start3A_11 : memref<10000x64xf32, #tpu.memory_space<hbm>>) target(%arg9 : memref<80x64xf32, #tpu.memory_space<vmem>>) offsets(%dma_start3A_8 : memref<80xi32, #tpu.memory_space<vmem>>) semaphore(%arg17 : memref<!tpu.dma_semaphore, #tpu.memory_space<semaphore_mem>>)
    %dma_start3A_12 = arith.constant 80 : i32
    %dma_start3A_13 = tpu.memref_slice %arg6[%dma_start3A_12] : memref<10000xi32, #tpu.memory_space<vmem>> -> memref<80xi32, #tpu.memory_space<vmem>>
    %dma_start3A_14 = arith.constant 0 : i32
    %dma_start3A_15 = arith.constant 0 : i32
    %dma_start3A_16 = tpu.memref_slice %arg2[%dma_start3A_14, %dma_start3A_15] : memref<10000x64xf32, #tpu.memory_space<hbm>> -> memref<10000x64xf32, #tpu.memory_space<hbm>>
    tpu.enqueue_indirect_dma source(%dma_start3A_16 : memref<10000x64xf32, #tpu.memory_space<hbm>>) target(%arg10 : memref<80x64xf32, #tpu.memory_space<vmem>>) offsets(%dma_start3A_13 : memref<80xi32, #tpu.memory_space<vmem>>) semaphore(%arg18 : memref<!tpu.dma_semaphore, #tpu.memory_space<semaphore_mem>>)
    %dma_start3A_17 = arith.constant 80 : i32
    %dma_start3A_18 = tpu.memref_slice %arg7[%dma_start3A_17] : memref<10000xi32, #tpu.memory_space<vmem>> -> memref<80xi32, #tpu.memory_space<vmem>>
    %dma_start3A_19 = arith.constant 0 : i32
    %dma_start3A_20 = arith.constant 0 : i32
    %dma_start3A_21 = tpu.memref_slice %arg2[%dma_start3A_19, %dma_start3A_20] : memref<10000x64xf32, #tpu.memory_space<hbm>> -> memref<10000x64xf32, #tpu.memory_space<hbm>>
    tpu.enqueue_indirect_dma source(%dma_start3A_21 : memref<10000x64xf32, #tpu.memory_space<hbm>>) target(%arg11 : memref<80x64xf32, #tpu.memory_space<vmem>>) offsets(%dma_start3A_18 : memref<80xi32, #tpu.memory_space<vmem>>) semaphore(%arg18 : memref<!tpu.dma_semaphore, #tpu.memory_space<semaphore_mem>>)
    %dma_start3A_22 = arith.constant 160 : i32
    %dma_start3A_23 = tpu.memref_slice %arg6[%dma_start3A_22] : memref<10000xi32, #tpu.memory_space<vmem>> -> memref<80xi32, #tpu.memory_space<vmem>>
    %dma_start3A_24 = arith.constant 0 : i32
    %dma_start3A_25 = arith.constant 0 : i32
    %dma_start3A_26 = tpu.memref_slice %arg2[%dma_start3A_24, %dma_start3A_25] : memref<10000x64xf32, #tpu.memory_space<hbm>> -> memref<10000x64xf32, #tpu.memory_space<hbm>>
    tpu.enqueue_indirect_dma source(%dma_start3A_26 : memref<10000x64xf32, #tpu.memory_space<hbm>>) target(%arg12 : memref<80x64xf32, #tpu.memory_space<vmem>>) offsets(%dma_start3A_23 : memref<80xi32, #tpu.memory_space<vmem>>) semaphore(%arg19 : memref<!tpu.dma_semaphore, #tpu.memory_space<semaphore_mem>>)
    %dma_start3A_27 = arith.constant 160 : i32
    %dma_start3A_28 = tpu.memref_slice %arg7[%dma_start3A_27] : memref<10000xi32, #tpu.memory_space<vmem>> -> memref<80xi32, #tpu.memory_space<vmem>>
    %dma_start3A_29 = arith.constant 0 : i32
    %dma_start3A_30 = arith.constant 0 : i32
    %dma_start3A_31 = tpu.memref_slice %arg2[%dma_start3A_29, %dma_start3A_30] : memref<10000x64xf32, #tpu.memory_space<hbm>> -> memref<10000x64xf32, #tpu.memory_space<hbm>>
    tpu.enqueue_indirect_dma source(%dma_start3A_31 : memref<10000x64xf32, #tpu.memory_space<hbm>>) target(%arg13 : memref<80x64xf32, #tpu.memory_space<vmem>>) offsets(%dma_start3A_28 : memref<80xi32, #tpu.memory_space<vmem>>) semaphore(%arg19 : memref<!tpu.dma_semaphore, #tpu.memory_space<semaphore_mem>>)
    %dma_start3A_32 = arith.constant 240 : i32
    %dma_start3A_33 = tpu.memref_slice %arg6[%dma_start3A_32] : memref<10000xi32, #tpu.memory_space<vmem>> -> memref<80xi32, #tpu.memory_space<vmem>>
    %dma_start3A_34 = arith.constant 0 : i32
    %dma_start3A_35 = arith.constant 0 : i32
    %dma_start3A_36 = tpu.memref_slice %arg2[%dma_start3A_34, %dma_start3A_35] : memref<10000x64xf32, #tpu.memory_space<hbm>> -> memref<10000x64xf32, #tpu.memory_space<hbm>>
    tpu.enqueue_indirect_dma source(%dma_start3A_36 : memref<10000x64xf32, #tpu.memory_space<hbm>>) target(%arg14 : memref<80x64xf32, #tpu.memory_space<vmem>>) offsets(%dma_start3A_33 : memref<80xi32, #tpu.memory_space<vmem>>) semaphore(%arg20 : memref<!tpu.dma_semaphore, #tpu.memory_space<semaphore_mem>>)
    %dma_start3A_37 = arith.constant 240 : i32
    %dma_start3A_38 = tpu.memref_slice %arg7[%dma_start3A_37] : memref<10000xi32, #tpu.memory_space<vmem>> -> memref<80xi32, #tpu.memory_space<vmem>>
    %dma_start3A_39 = arith.constant 0 : i32
    %dma_start3A_40 = arith.constant 0 : i32
    %dma_start3A_41 = tpu.memref_slice %arg2[%dma_start3A_39, %dma_start3A_40] : memref<10000x64xf32, #tpu.memory_space<hbm>> -> memref<10000x64xf32, #tpu.memory_space<hbm>>
    tpu.enqueue_indirect_dma source(%dma_start3A_41 : memref<10000x64xf32, #tpu.memory_space<hbm>>) target(%arg15 : memref<80x64xf32, #tpu.memory_space<vmem>>) offsets(%dma_start3A_38 : memref<80xi32, #tpu.memory_space<vmem>>) semaphore(%arg20 : memref<!tpu.dma_semaphore, #tpu.memory_space<semaphore_mem>>)
    %scan3A = arith.constant 0 : i32
    %scan3A_42 = arith.constant 32 : i32
    %scan3A_43 = arith.addi %scan3A, %scan3A_42 : i32
    %scan3A_44 = arith.constant 1 : i32
    scf.for %scan3A_46 = %scan3A to %scan3A_43 step %scan3A_44  : i32 {
      %mul3A_47 = arith.constant 4 : i32
      %mul3A_48 = arith.muli %scan3A_46, %mul3A_47 : i32
      %add3A_49 = arith.constant 0 : i32
      %add3A_50 = arith.addi %add3A_49, %mul3A_48 : i32
      %add3A_51 = arith.constant 0 : i32
      %add3A_52 = arith.addi %add3A_50, %add3A_51 : i32
      %lt3A = arith.constant 125 : i32
      %lt3A_53 = arith.cmpi slt, %add3A_52, %lt3A : i32
      %convert_element_type3A = arith.extui %lt3A_53 : i1 to i32
      %cond3A = arith.constant 0 : i32
      %cond3A_54 = arith.cmpi ne, %convert_element_type3A, %cond3A : i32
      scf.if %cond3A_54 {
        %dma_wait3A = arith.constant 0 : i32
        %dma_wait3A_76 = tpu.memref_slice %arg6[%dma_wait3A] : memref<10000xi32, #tpu.memory_space<vmem>> -> memref<80xi32, #tpu.memory_space<vmem>>
        %dma_wait3A_77 = arith.constant 0 : i32
        %dma_wait3A_78 = arith.constant 0 : i32
        %dma_wait3A_79 = tpu.memref_slice %arg2[%dma_wait3A_77, %dma_wait3A_78] : memref<10000x64xf32, #tpu.memory_space<hbm>> -> memref<10000x64xf32, #tpu.memory_space<hbm>>
        tpu.wait_indirect_dma semaphore(%arg17 : memref<!tpu.dma_semaphore, #tpu.memory_space<semaphore_mem>>) src(%dma_wait3A_79 : memref<10000x64xf32, #tpu.memory_space<hbm>>) dst(%arg8 : memref<80x64xf32, #tpu.memory_space<vmem>>)
        %dma_wait3A_80 = arith.constant 0 : i32
        %dma_wait3A_81 = tpu.memref_slice %arg7[%dma_wait3A_80] : memref<10000xi32, #tpu.memory_space<vmem>> -> memref<80xi32, #tpu.memory_space<vmem>>
        %dma_wait3A_82 = arith.constant 0 : i32
        %dma_wait3A_83 = arith.constant 0 : i32
        %dma_wait3A_84 = tpu.memref_slice %arg2[%dma_wait3A_82, %dma_wait3A_83] : memref<10000x64xf32, #tpu.memory_space<hbm>> -> memref<10000x64xf32, #tpu.memory_space<hbm>>
        tpu.wait_indirect_dma semaphore(%arg17 : memref<!tpu.dma_semaphore, #tpu.memory_space<semaphore_mem>>) src(%dma_wait3A_84 : memref<10000x64xf32, #tpu.memory_space<hbm>>) dst(%arg9 : memref<80x64xf32, #tpu.memory_space<vmem>>)
        %scan3A_85 = arith.constant 0 : i32
        %scan3A_86 = arith.constant 5 : i32
        %scan3A_87 = arith.addi %scan3A_85, %scan3A_86 : i32
        %scan3A_88 = arith.constant 1 : i32
        scf.for %scan3A_97 = %scan3A_85 to %scan3A_87 step %scan3A_88  : i32 {
          %mul3A_98 = arith.constant 1 : i32
          %mul3A_99 = arith.muli %scan3A_97, %mul3A_98 : i32
          %add3A_100 = arith.constant 0 : i32
          %add3A_101 = arith.addi %add3A_100, %mul3A_99 : i32
          %broadcast_in_dim3A = arith.constant 0.000000e+00 : f32
          %broadcast_in_dim3A_102 = vector.broadcast %broadcast_in_dim3A : f32 to vector<16xf32>
          %scan3A_103 = arith.constant 0 : i32
          %scan3A_104 = arith.constant 16 : i32
          %scan3A_105 = arith.addi %scan3A_103, %scan3A_104 : i32
          %scan3A_106 = arith.constant 4 : i32
          %scan3A_107 = scf.for %scan3A_115 = %scan3A_103 to %scan3A_105 step %scan3A_106 iter_args(%scan3A_116 = %broadcast_in_dim3A_102) -> (vector<16xf32>)  : i32 {
            %mul3A_117 = arith.constant 1 : i32
            %mul3A_118 = arith.muli %scan3A_115, %mul3A_117 : i32
            %add3A_119 = arith.constant 0 : i32
            %add3A_120 = arith.addi %add3A_119, %mul3A_118 : i32
            %mul3A_121 = arith.constant 16 : i32
            %mul3A_122 = arith.muli %add3A_101, %mul3A_121 : i32
            %add3A_123 = arith.addi %mul3A_122, %add3A_120 : i32
            %get3A = arith.index_cast %add3A_123 : i32 to index
            %get3A_124 = arith.constant 0 : index
            %get3A_125 = tpu.vector_load %arg8[%get3A, %get3A_124] {strides = array<i32>} : memref<80x64xf32, #tpu.memory_space<vmem>>, vector<16xf32>,
            %bitcast3A = vector.bitcast %get3A_125 : vector<16xf32> to vector<32xbf16>
            %get3A_126 = arith.index_cast %add3A_123 : i32 to index
            %get3A_127 = arith.constant 0 : index
            %get3A_128 = tpu.vector_load %arg9[%get3A_126, %get3A_127] {strides = array<i32>} : memref<80x64xf32, #tpu.memory_space<vmem>>, vector<16xf32>,
            %bitcast3A_129 = vector.bitcast %get3A_128 : vector<16xf32> to vector<32xbf16>
            %mul3A_130 = arith.mulf %bitcast3A, %bitcast3A_129 : vector<32xbf16>
            %get3A_131 = arith.index_cast %add3A_123 : i32 to index
            %get3A_132 = arith.constant 16 : index
            %get3A_133 = tpu.vector_load %arg8[%get3A_131, %get3A_132] {strides = array<i32>} : memref<80x64xf32, #tpu.memory_space<vmem>>, vector<16xf32>,
            %bitcast3A_134 = vector.bitcast %get3A_133 : vector<16xf32> to vector<32xbf16>
            %get3A_135 = arith.index_cast %add3A_123 : i32 to index
            %get3A_136 = arith.constant 16 : index
            %get3A_137 = tpu.vector_load %arg9[%get3A_135, %get3A_136] {strides = array<i32>} : memref<80x64xf32, #tpu.memory_space<vmem>>, vector<16xf32>,
            %bitcast3A_138 = vector.bitcast %get3A_137 : vector<16xf32> to vector<32xbf16>
            %mul3A_139 = arith.mulf %bitcast3A_134, %bitcast3A_138 : vector<32xbf16>
            %add3A_140 = arith.addf %mul3A_130, %mul3A_139 : vector<32xbf16>
            %unpack3A = tpu.unpack_subelements %add3A_140, 0 {pack_format = #tpu.pack_format<interleaved>} : vector<32xbf16> -> vector<16xf32>
            %unpack3A_141 = tpu.unpack_subelements %add3A_140, 1 {pack_format = #tpu.pack_format<interleaved>} : vector<32xbf16> -> vector<16xf32>
            %add3A_142 = arith.addf %unpack3A, %unpack3A_141 : vector<16xf32>
            %reduce_sum3A = arith.constant true
            %reduce_sum3A_143 = vector.broadcast %reduce_sum3A : i1 to vector<16xi1>
            %reduce_sum3A_144 = tpu.scan <sum>, %add3A_142 masked %reduce_sum3A_143 : vector<16xf32>, vector<16xi1> -> vector<16xf32>
            %reduce_sum3A_145 = vector.extract %reduce_sum3A_144[15] : f32 from vector<16xf32>
            %eq3A = vector.broadcast %add3A_120 : i32 to vector<16xi32>
            %eq3A_146 = arith.cmpi eq, %iota3A, %eq3A : vector<16xi32>
            %broadcast_in_dim3A_147 = vector.broadcast %reduce_sum3A_145 : f32 to vector<16xf32>
            %select_n3A = arith.select %eq3A_146, %broadcast_in_dim3A_147, %scan3A_116 : vector<16xi1>, vector<16xf32>
            %scan3A_148 = arith.constant 1 : i32
            %scan3A_149 = arith.addi %scan3A_115, %scan3A_148 : i32
            %mul3A_150 = arith.constant 1 : i32
            %mul3A_151 = arith.muli %scan3A_149, %mul3A_150 : i32
            %add3A_152 = arith.constant 0 : i32
            %add3A_153 = arith.addi %add3A_152, %mul3A_151 : i32
            %mul3A_154 = arith.constant 16 : i32
            %mul3A_155 = arith.muli %add3A_101, %mul3A_154 : i32
            %add3A_156 = arith.addi %mul3A_155, %add3A_153 : i32
            %get3A_157 = arith.index_cast %add3A_156 : i32 to index
            %get3A_158 = arith.constant 0 : index
            %get3A_159 = tpu.vector_load %arg8[%get3A_157, %get3A_158] {strides = array<i32>} : memref<80x64xf32, #tpu.memory_space<vmem>>, vector<16xf32>,
            %bitcast3A_160 = vector.bitcast %get3A_159 : vector<16xf32> to vector<32xbf16>
            %get3A_161 = arith.index_cast %add3A_156 : i32 to index
            %get3A_162 = arith.constant 0 : index
            %get3A_163 = tpu.vector_load %arg9[%get3A_161, %get3A_162] {strides = array<i32>} : memref<80x64xf32, #tpu.memory_space<vmem>>, vector<16xf32>,
            %bitcast3A_164 = vector.bitcast %get3A_163 : vector<16xf32> to vector<32xbf16>
            %mul3A_165 = arith.mulf %bitcast3A_160, %bitcast3A_164 : vector<32xbf16>
            %get3A_166 = arith.index_cast %add3A_156 : i32 to index
            %get3A_167 = arith.constant 16 : index
            %get3A_168 = tpu.vector_load %arg8[%get3A_166, %get3A_167] {strides = array<i32>} : memref<80x64xf32, #tpu.memory_space<vmem>>, vector<16xf32>,
            %bitcast3A_169 = vector.bitcast %get3A_168 : vector<16xf32> to vector<32xbf16>
            %get3A_170 = arith.index_cast %add3A_156 : i32 to index
            %get3A_171 = arith.constant 16 : index
            %get3A_172 = tpu.vector_load %arg9[%get3A_170, %get3A_171] {strides = array<i32>} : memref<80x64xf32, #tpu.memory_space<vmem>>, vector<16xf32>,
            %bitcast3A_173 = vector.bitcast %get3A_172 : vector<16xf32> to vector<32xbf16>
            %mul3A_174 = arith.mulf %bitcast3A_169, %bitcast3A_173 : vector<32xbf16>
            %add3A_175 = arith.addf %mul3A_165, %mul3A_174 : vector<32xbf16>
            %unpack3A_176 = tpu.unpack_subelements %add3A_175, 0 {pack_format = #tpu.pack_format<interleaved>} : vector<32xbf16> -> vector<16xf32>
            %unpack3A_177 = tpu.unpack_subelements %add3A_175, 1 {pack_format = #tpu.pack_format<interleaved>} : vector<32xbf16> -> vector<16xf32>
            %add3A_178 = arith.addf %unpack3A_176, %unpack3A_177 : vector<16xf32>
            %reduce_sum3A_179 = arith.constant true
            %reduce_sum3A_180 = vector.broadcast %reduce_sum3A_179 : i1 to vector<16xi1>
            %reduce_sum3A_181 = tpu.scan <sum>, %add3A_178 masked %reduce_sum3A_180 : vector<16xf32>, vector<16xi1> -> vector<16xf32>
            %reduce_sum3A_182 = vector.extract %reduce_sum3A_181[15] : f32 from vector<16xf32>
            %eq3A_183 = vector.broadcast %add3A_153 : i32 to vector<16xi32>
            %eq3A_184 = arith.cmpi eq, %iota3A, %eq3A_183 : vector<16xi32>
            %broadcast_in_dim3A_185 = vector.broadcast %reduce_sum3A_182 : f32 to vector<16xf32>
            %select_n3A_186 = arith.select %eq3A_184, %broadcast_in_dim3A_185, %select_n3A : vector<16xi1>, vector<16xf32>
            %scan3A_187 = arith.constant 2 : i32
            %scan3A_188 = arith.addi %scan3A_115, %scan3A_187 : i32
            %mul3A_189 = arith.constant 1 : i32
            %mul3A_190 = arith.muli %scan3A_188, %mul3A_189 : i32
            %add3A_191 = arith.constant 0 : i32
            %add3A_192 = arith.addi %add3A_191, %mul3A_190 : i32
            %mul3A_193 = arith.constant 16 : i32
            %mul3A_194 = arith.muli %add3A_101, %mul3A_193 : i32
            %add3A_195 = arith.addi %mul3A_194, %add3A_192 : i32
            %get3A_196 = arith.index_cast %add3A_195 : i32 to index
            %get3A_197 = arith.constant 0 : index
            %get3A_198 = tpu.vector_load %arg8[%get3A_196, %get3A_197] {strides = array<i32>} : memref<80x64xf32, #tpu.memory_space<vmem>>, vector<16xf32>,
            %bitcast3A_199 = vector.bitcast %get3A_198 : vector<16xf32> to vector<32xbf16>
            %get3A_200 = arith.index_cast %add3A_195 : i32 to index
            %get3A_201 = arith.constant 0 : index
            %get3A_202 = tpu.vector_load %arg9[%get3A_200, %get3A_201] {strides = array<i32>} : memref<80x64xf32, #tpu.memory_space<vmem>>, vector<16xf32>,
            %bitcast3A_203 = vector.bitcast %get3A_202 : vector<16xf32> to vector<32xbf16>
            %mul3A_204 = arith.mulf %bitcast3A_199, %bitcast3A_203 : vector<32xbf16>
            %get3A_205 = arith.index_cast %add3A_195 : i32 to index
            %get3A_206 = arith.constant 16 : index
            %get3A_207 = tpu.vector_load %arg8[%get3A_205, %get3A_206] {strides = array<i32>} : memref<80x64xf32, #tpu.memory_space<vmem>>, vector<16xf32>,
            %bitcast3A_208 = vector.bitcast %get3A_207 : vector<16xf32> to vector<32xbf16>
            %get3A_209 = arith.index_cast %add3A_195 : i32 to index
            %get3A_210 = arith.constant 16 : index
            %get3A_211 = tpu.vector_load %arg9[%get3A_209, %get3A_210] {strides = array<i32>} : memref<80x64xf32, #tpu.memory_space<vmem>>, vector<16xf32>,
            %bitcast3A_212 = vector.bitcast %get3A_211 : vector<16xf32> to vector<32xbf16>
            %mul3A_213 = arith.mulf %bitcast3A_208, %bitcast3A_212 : vector<32xbf16>
            %add3A_214 = arith.addf %mul3A_204, %mul3A_213 : vector<32xbf16>
            %unpack3A_215 = tpu.unpack_subelements %add3A_214, 0 {pack_format = #tpu.pack_format<interleaved>} : vector<32xbf16> -> vector<16xf32>
            %unpack3A_216 = tpu.unpack_subelements %add3A_214, 1 {pack_format = #tpu.pack_format<interleaved>} : vector<32xbf16> -> vector<16xf32>
            %add3A_217 = arith.addf %unpack3A_215, %unpack3A_216 : vector<16xf32>
            %reduce_sum3A_218 = arith.constant true
            %reduce_sum3A_219 = vector.broadcast %reduce_sum3A_218 : i1 to vector<16xi1>
            %reduce_sum3A_220 = tpu.scan <sum>, %add3A_217 masked %reduce_sum3A_219 : vector<16xf32>, vector<16xi1> -> vector<16xf32>
            %reduce_sum3A_221 = vector.extract %reduce_sum3A_220[15] : f32 from vector<16xf32>
            %eq3A_222 = vector.broadcast %add3A_192 : i32 to vector<16xi32>
            %eq3A_223 = arith.cmpi eq, %iota3A, %eq3A_222 : vector<16xi32>
            %broadcast_in_dim3A_224 = vector.broadcast %reduce_sum3A_221 : f32 to vector<16xf32>
            %select_n3A_225 = arith.select %eq3A_223, %broadcast_in_dim3A_224, %select_n3A_186 : vector<16xi1>, vector<16xf32>
            %scan3A_226 = arith.constant 3 : i32
            %scan3A_227 = arith.addi %scan3A_115, %scan3A_226 : i32
            %mul3A_228 = arith.constant 1 : i32
            %mul3A_229 = arith.muli %scan3A_227, %mul3A_228 : i32
            %add3A_230 = arith.constant 0 : i32
            %add3A_231 = arith.addi %add3A_230, %mul3A_229 : i32
            %mul3A_232 = arith.constant 16 : i32
            %mul3A_233 = arith.muli %add3A_101, %mul3A_232 : i32
            %add3A_234 = arith.addi %mul3A_233, %add3A_231 : i32
            %get3A_235 = arith.index_cast %add3A_234 : i32 to index
            %get3A_236 = arith.constant 0 : index
            %get3A_237 = tpu.vector_load %arg8[%get3A_235, %get3A_236] {strides = array<i32>} : memref<80x64xf32, #tpu.memory_space<vmem>>, vector<16xf32>,
            %bitcast3A_238 = vector.bitcast %get3A_237 : vector<16xf32> to vector<32xbf16>
            %get3A_239 = arith.index_cast %add3A_234 : i32 to index
            %get3A_240 = arith.constant 0 : index
            %get3A_241 = tpu.vector_load %arg9[%get3A_239, %get3A_240] {strides = array<i32>} : memref<80x64xf32, #tpu.memory_space<vmem>>, vector<16xf32>,
            %bitcast3A_242 = vector.bitcast %get3A_241 : vector<16xf32> to vector<32xbf16>
            %mul3A_243 = arith.mulf %bitcast3A_238, %bitcast3A_242 : vector<32xbf16>
            %get3A_244 = arith.index_cast %add3A_234 : i32 to index
            %get3A_245 = arith.constant 16 : index
            %get3A_246 = tpu.vector_load %arg8[%get3A_244, %get3A_245] {strides = array<i32>} : memref<80x64xf32, #tpu.memory_space<vmem>>, vector<16xf32>,
            %bitcast3A_247 = vector.bitcast %get3A_246 : vector<16xf32> to vector<32xbf16>
            %get3A_248 = arith.index_cast %add3A_234 : i32 to index
            %get3A_249 = arith.constant 16 : index
            %get3A_250 = tpu.vector_load %arg9[%get3A_248, %get3A_249] {strides = array<i32>} : memref<80x64xf32, #tpu.memory_space<vmem>>, vector<16xf32>,
            %bitcast3A_251 = vector.bitcast %get3A_250 : vector<16xf32> to vector<32xbf16>
            %mul3A_252 = arith.mulf %bitcast3A_247, %bitcast3A_251 : vector<32xbf16>
            %add3A_253 = arith.addf %mul3A_243, %mul3A_252 : vector<32xbf16>
            %unpack3A_254 = tpu.unpack_subelements %add3A_253, 0 {pack_format = #tpu.pack_format<interleaved>} : vector<32xbf16> -> vector<16xf32>
            %unpack3A_255 = tpu.unpack_subelements %add3A_253, 1 {pack_format = #tpu.pack_format<interleaved>} : vector<32xbf16> -> vector<16xf32>
            %add3A_256 = arith.addf %unpack3A_254, %unpack3A_255 : vector<16xf32>
            %reduce_sum3A_257 = arith.constant true
            %reduce_sum3A_258 = vector.broadcast %reduce_sum3A_257 : i1 to vector<16xi1>
            %reduce_sum3A_259 = tpu.scan <sum>, %add3A_256 masked %reduce_sum3A_258 : vector<16xf32>, vector<16xi1> -> vector<16xf32>
            %reduce_sum3A_260 = vector.extract %reduce_sum3A_259[15] : f32 from vector<16xf32>
            %eq3A_261 = vector.broadcast %add3A_231 : i32 to vector<16xi32>
            %eq3A_262 = arith.cmpi eq, %iota3A, %eq3A_261 : vector<16xi32>
            %broadcast_in_dim3A_263 = vector.broadcast %reduce_sum3A_260 : f32 to vector<16xf32>
            %select_n3A_264 = arith.select %eq3A_262, %broadcast_in_dim3A_263, %select_n3A_225 : vector<16xi1>, vector<16xf32>
            scf.yield %select_n3A_264 : vector<16xf32>
          }
          %scan3A_108 = arith.constant 16 : i32
          %mul3A_109 = arith.constant 80 : i32
          %mul3A_110 = arith.muli %add3A_52, %mul3A_109 : i32
          %mul3A_111 = arith.constant 16 : i32
          %mul3A_112 = arith.muli %add3A_101, %mul3A_111 : i32
          %add3A_113 = arith.addi %mul3A_110, %mul3A_112 : i32
          %swap3A = arith.index_cast %add3A_113 : i32 to index
          %swap3A_114 = tpu.vector_load %arg16[%swap3A] {strides = array<i32>} : memref<10000xf32, #tpu.memory_space<vmem>>, vector<16xf32>,
          tpu.vector_store %arg16[%swap3A], %scan3A_107 {strides = array<i32>} : memref<10000xf32, #tpu.memory_space<vmem>>, vector<16xf32>,
        }
        %scan3A_89 = arith.constant 5 : i32
        %add3A_90 = arith.constant 4 : i32
        %add3A_91 = arith.addi %add3A_52, %add3A_90 : i32
        %lt3A_92 = arith.constant 125 : i32
        %lt3A_93 = arith.cmpi slt, %add3A_91, %lt3A_92 : i32
        %convert_element_type3A_94 = arith.extui %lt3A_93 : i1 to i32
        %cond3A_95 = arith.constant 0 : i32
        %cond3A_96 = arith.cmpi ne, %convert_element_type3A_94, %cond3A_95 : i32
        scf.if %cond3A_96 {
          %add3A_97 = arith.constant 4 : i32
          %add3A_98 = arith.addi %add3A_52, %add3A_97 : i32
          %mul3A_99 = arith.constant 80 : i32
          %mul3A_100 = arith.muli %add3A_98, %mul3A_99 : i32
          %dma_start3A_101 = tpu.memref_slice %arg6[%mul3A_100] : memref<10000xi32, #tpu.memory_space<vmem>> -> memref<80xi32, #tpu.memory_space<vmem>>
          %dma_start3A_102 = arith.constant 0 : i32
          %dma_start3A_103 = arith.constant 0 : i32
          %dma_start3A_104 = tpu.memref_slice %arg2[%dma_start3A_102, %dma_start3A_103] : memref<10000x64xf32, #tpu.memory_space<hbm>> -> memref<10000x64xf32, #tpu.memory_space<hbm>>
          tpu.enqueue_indirect_dma source(%dma_start3A_104 : memref<10000x64xf32, #tpu.memory_space<hbm>>) target(%arg8 : memref<80x64xf32, #tpu.memory_space<vmem>>) offsets(%dma_start3A_101 : memref<80xi32, #tpu.memory_space<vmem>>) semaphore(%arg17 : memref<!tpu.dma_semaphore, #tpu.memory_space<semaphore_mem>>)
          %dma_start3A_105 = tpu.memref_slice %arg7[%mul3A_100] : memref<10000xi32, #tpu.memory_space<vmem>> -> memref<80xi32, #tpu.memory_space<vmem>>
          %dma_start3A_106 = arith.constant 0 : i32
          %dma_start3A_107 = arith.constant 0 : i32
          %dma_start3A_108 = tpu.memref_slice %arg2[%dma_start3A_106, %dma_start3A_107] : memref<10000x64xf32, #tpu.memory_space<hbm>> -> memref<10000x64xf32, #tpu.memory_space<hbm>>
          tpu.enqueue_indirect_dma source(%dma_start3A_108 : memref<10000x64xf32, #tpu.memory_space<hbm>>) target(%arg9 : memref<80x64xf32, #tpu.memory_space<vmem>>) offsets(%dma_start3A_105 : memref<80xi32, #tpu.memory_space<vmem>>) semaphore(%arg17 : memref<!tpu.dma_semaphore, #tpu.memory_space<semaphore_mem>>)
        } else {
        }
      } else {
      }
      %add3A_55 = arith.constant 1 : i32
      %add3A_56 = arith.addi %add3A_50, %add3A_55 : i32
      %lt3A_57 = arith.constant 125 : i32
      %lt3A_58 = arith.cmpi slt, %add3A_56, %lt3A_57 : i32
      %convert_element_type3A_59 = arith.extui %lt3A_58 : i1 to i32
      %cond3A_60 = arith.constant 0 : i32
      %cond3A_61 = arith.cmpi ne, %convert_element_type3A_59, %cond3A_60 : i32
      scf.if %cond3A_61 {
        %dma_wait3A = arith.constant 0 : i32
        %dma_wait3A_76 = tpu.memref_slice %arg6[%dma_wait3A] : memref<10000xi32, #tpu.memory_space<vmem>> -> memref<80xi32, #tpu.memory_space<vmem>>
        %dma_wait3A_77 = arith.constant 0 : i32
        %dma_wait3A_78 = arith.constant 0 : i32
        %dma_wait3A_79 = tpu.memref_slice %arg2[%dma_wait3A_77, %dma_wait3A_78] : memref<10000x64xf32, #tpu.memory_space<hbm>> -> memref<10000x64xf32, #tpu.memory_space<hbm>>
        tpu.wait_indirect_dma semaphore(%arg18 : memref<!tpu.dma_semaphore, #tpu.memory_space<semaphore_mem>>) src(%dma_wait3A_79 : memref<10000x64xf32, #tpu.memory_space<hbm>>) dst(%arg10 : memref<80x64xf32, #tpu.memory_space<vmem>>)
        %dma_wait3A_80 = arith.constant 0 : i32
        %dma_wait3A_81 = tpu.memref_slice %arg7[%dma_wait3A_80] : memref<10000xi32, #tpu.memory_space<vmem>> -> memref<80xi32, #tpu.memory_space<vmem>>
        %dma_wait3A_82 = arith.constant 0 : i32
        %dma_wait3A_83 = arith.constant 0 : i32
        %dma_wait3A_84 = tpu.memref_slice %arg2[%dma_wait3A_82, %dma_wait3A_83] : memref<10000x64xf32, #tpu.memory_space<hbm>> -> memref<10000x64xf32, #tpu.memory_space<hbm>>
        tpu.wait_indirect_dma semaphore(%arg18 : memref<!tpu.dma_semaphore, #tpu.memory_space<semaphore_mem>>) src(%dma_wait3A_84 : memref<10000x64xf32, #tpu.memory_space<hbm>>) dst(%arg11 : memref<80x64xf32, #tpu.memory_space<vmem>>)
        %scan3A_85 = arith.constant 0 : i32
        %scan3A_86 = arith.constant 5 : i32
        %scan3A_87 = arith.addi %scan3A_85, %scan3A_86 : i32
        %scan3A_88 = arith.constant 1 : i32
        scf.for %scan3A_97 = %scan3A_85 to %scan3A_87 step %scan3A_88  : i32 {
          %mul3A_98 = arith.constant 1 : i32
          %mul3A_99 = arith.muli %scan3A_97, %mul3A_98 : i32
          %add3A_100 = arith.constant 0 : i32
          %add3A_101 = arith.addi %add3A_100, %mul3A_99 : i32
          %broadcast_in_dim3A = arith.constant 0.000000e+00 : f32
          %broadcast_in_dim3A_102 = vector.broadcast %broadcast_in_dim3A : f32 to vector<16xf32>
          %scan3A_103 = arith.constant 0 : i32
          %scan3A_104 = arith.constant 16 : i32
          %scan3A_105 = arith.addi %scan3A_103, %scan3A_104 : i32
          %scan3A_106 = arith.constant 4 : i32
          %scan3A_107 = scf.for %scan3A_115 = %scan3A_103 to %scan3A_105 step %scan3A_106 iter_args(%scan3A_116 = %broadcast_in_dim3A_102) -> (vector<16xf32>)  : i32 {
            %mul3A_117 = arith.constant 1 : i32
            %mul3A_118 = arith.muli %scan3A_115, %mul3A_117 : i32
            %add3A_119 = arith.constant 0 : i32
            %add3A_120 = arith.addi %add3A_119, %mul3A_118 : i32
            %mul3A_121 = arith.constant 16 : i32
            %mul3A_122 = arith.muli %add3A_101, %mul3A_121 : i32
            %add3A_123 = arith.addi %mul3A_122, %add3A_120 : i32
            %get3A = arith.index_cast %add3A_123 : i32 to index
            %get3A_124 = arith.constant 0 : index
            %get3A_125 = tpu.vector_load %arg10[%get3A, %get3A_124] {strides = array<i32>} : memref<80x64xf32, #tpu.memory_space<vmem>>, vector<16xf32>,
            %bitcast3A = vector.bitcast %get3A_125 : vector<16xf32> to vector<32xbf16>
            %get3A_126 = arith.index_cast %add3A_123 : i32 to index
            %get3A_127 = arith.constant 0 : index
            %get3A_128 = tpu.vector_load %arg11[%get3A_126, %get3A_127] {strides = array<i32>} : memref<80x64xf32, #tpu.memory_space<vmem>>, vector<16xf32>,
            %bitcast3A_129 = vector.bitcast %get3A_128 : vector<16xf32> to vector<32xbf16>
            %mul3A_130 = arith.mulf %bitcast3A, %bitcast3A_129 : vector<32xbf16>
            %get3A_131 = arith.index_cast %add3A_123 : i32 to index
            %get3A_132 = arith.constant 16 : index
            %get3A_133 = tpu.vector_load %arg10[%get3A_131, %get3A_132] {strides = array<i32>} : memref<80x64xf32, #tpu.memory_space<vmem>>, vector<16xf32>,
            %bitcast3A_134 = vector.bitcast %get3A_133 : vector<16xf32> to vector<32xbf16>
            %get3A_135 = arith.index_cast %add3A_123 : i32 to index
            %get3A_136 = arith.constant 16 : index
            %get3A_137 = tpu.vector_load %arg11[%get3A_135, %get3A_136] {strides = array<i32>} : memref<80x64xf32, #tpu.memory_space<vmem>>, vector<16xf32>,
            %bitcast3A_138 = vector.bitcast %get3A_137 : vector<16xf32> to vector<32xbf16>
            %mul3A_139 = arith.mulf %bitcast3A_134, %bitcast3A_138 : vector<32xbf16>
            %add3A_140 = arith.addf %mul3A_130, %mul3A_139 : vector<32xbf16>
            %unpack3A = tpu.unpack_subelements %add3A_140, 0 {pack_format = #tpu.pack_format<interleaved>} : vector<32xbf16> -> vector<16xf32>
            %unpack3A_141 = tpu.unpack_subelements %add3A_140, 1 {pack_format = #tpu.pack_format<interleaved>} : vector<32xbf16> -> vector<16xf32>
            %add3A_142 = arith.addf %unpack3A, %unpack3A_141 : vector<16xf32>
            %reduce_sum3A = arith.constant true
            %reduce_sum3A_143 = vector.broadcast %reduce_sum3A : i1 to vector<16xi1>
            %reduce_sum3A_144 = tpu.scan <sum>, %add3A_142 masked %reduce_sum3A_143 : vector<16xf32>, vector<16xi1> -> vector<16xf32>
            %reduce_sum3A_145 = vector.extract %reduce_sum3A_144[15] : f32 from vector<16xf32>
            %eq3A = vector.broadcast %add3A_120 : i32 to vector<16xi32>
            %eq3A_146 = arith.cmpi eq, %iota3A, %eq3A : vector<16xi32>
            %broadcast_in_dim3A_147 = vector.broadcast %reduce_sum3A_145 : f32 to vector<16xf32>
            %select_n3A = arith.select %eq3A_146, %broadcast_in_dim3A_147, %scan3A_116 : vector<16xi1>, vector<16xf32>
            %scan3A_148 = arith.constant 1 : i32
            %scan3A_149 = arith.addi %scan3A_115, %scan3A_148 : i32
            %mul3A_150 = arith.constant 1 : i32
            %mul3A_151 = arith.muli %scan3A_149, %mul3A_150 : i32
            %add3A_152 = arith.constant 0 : i32
            %add3A_153 = arith.addi %add3A_152, %mul3A_151 : i32
            %mul3A_154 = arith.constant 16 : i32
            %mul3A_155 = arith.muli %add3A_101, %mul3A_154 : i32
            %add3A_156 = arith.addi %mul3A_155, %add3A_153 : i32
            %get3A_157 = arith.index_cast %add3A_156 : i32 to index
            %get3A_158 = arith.constant 0 : index
            %get3A_159 = tpu.vector_load %arg10[%get3A_157, %get3A_158] {strides = array<i32>} : memref<80x64xf32, #tpu.memory_space<vmem>>, vector<16xf32>,
            %bitcast3A_160 = vector.bitcast %get3A_159 : vector<16xf32> to vector<32xbf16>
            %get3A_161 = arith.index_cast %add3A_156 : i32 to index
            %get3A_162 = arith.constant 0 : index
            %get3A_163 = tpu.vector_load %arg11[%get3A_161, %get3A_162] {strides = array<i32>} : memref<80x64xf32, #tpu.memory_space<vmem>>, vector<16xf32>,
            %bitcast3A_164 = vector.bitcast %get3A_163 : vector<16xf32> to vector<32xbf16>
            %mul3A_165 = arith.mulf %bitcast3A_160, %bitcast3A_164 : vector<32xbf16>
            %get3A_166 = arith.index_cast %add3A_156 : i32 to index
            %get3A_167 = arith.constant 16 : index
            %get3A_168 = tpu.vector_load %arg10[%get3A_166, %get3A_167] {strides = array<i32>} : memref<80x64xf32, #tpu.memory_space<vmem>>, vector<16xf32>,
            %bitcast3A_169 = vector.bitcast %get3A_168 : vector<16xf32> to vector<32xbf16>
            %get3A_170 = arith.index_cast %add3A_156 : i32 to index
            %get3A_171 = arith.constant 16 : index
            %get3A_172 = tpu.vector_load %arg11[%get3A_170, %get3A_171] {strides = array<i32>} : memref<80x64xf32, #tpu.memory_space<vmem>>, vector<16xf32>,
            %bitcast3A_173 = vector.bitcast %get3A_172 : vector<16xf32> to vector<32xbf16>
            %mul3A_174 = arith.mulf %bitcast3A_169, %bitcast3A_173 : vector<32xbf16>
            %add3A_175 = arith.addf %mul3A_165, %mul3A_174 : vector<32xbf16>
            %unpack3A_176 = tpu.unpack_subelements %add3A_175, 0 {pack_format = #tpu.pack_format<interleaved>} : vector<32xbf16> -> vector<16xf32>
            %unpack3A_177 = tpu.unpack_subelements %add3A_175, 1 {pack_format = #tpu.pack_format<interleaved>} : vector<32xbf16> -> vector<16xf32>
            %add3A_178 = arith.addf %unpack3A_176, %unpack3A_177 : vector<16xf32>
            %reduce_sum3A_179 = arith.constant true
            %reduce_sum3A_180 = vector.broadcast %reduce_sum3A_179 : i1 to vector<16xi1>
            %reduce_sum3A_181 = tpu.scan <sum>, %add3A_178 masked %reduce_sum3A_180 : vector<16xf32>, vector<16xi1> -> vector<16xf32>
            %reduce_sum3A_182 = vector.extract %reduce_sum3A_181[15] : f32 from vector<16xf32>
            %eq3A_183 = vector.broadcast %add3A_153 : i32 to vector<16xi32>
            %eq3A_184 = arith.cmpi eq, %iota3A, %eq3A_183 : vector<16xi32>
            %broadcast_in_dim3A_185 = vector.broadcast %reduce_sum3A_182 : f32 to vector<16xf32>
            %select_n3A_186 = arith.select %eq3A_184, %broadcast_in_dim3A_185, %select_n3A : vector<16xi1>, vector<16xf32>
            %scan3A_187 = arith.constant 2 : i32
            %scan3A_188 = arith.addi %scan3A_115, %scan3A_187 : i32
            %mul3A_189 = arith.constant 1 : i32
            %mul3A_190 = arith.muli %scan3A_188, %mul3A_189 : i32
            %add3A_191 = arith.constant 0 : i32
            %add3A_192 = arith.addi %add3A_191, %mul3A_190 : i32
            %mul3A_193 = arith.constant 16 : i32
            %mul3A_194 = arith.muli %add3A_101, %mul3A_193 : i32
            %add3A_195 = arith.addi %mul3A_194, %add3A_192 : i32
            %get3A_196 = arith.index_cast %add3A_195 : i32 to index
            %get3A_197 = arith.constant 0 : index
            %get3A_198 = tpu.vector_load %arg10[%get3A_196, %get3A_197] {strides = array<i32>} : memref<80x64xf32, #tpu.memory_space<vmem>>, vector<16xf32>,
            %bitcast3A_199 = vector.bitcast %get3A_198 : vector<16xf32> to vector<32xbf16>
            %get3A_200 = arith.index_cast %add3A_195 : i32 to index
            %get3A_201 = arith.constant 0 : index
            %get3A_202 = tpu.vector_load %arg11[%get3A_200, %get3A_201] {strides = array<i32>} : memref<80x64xf32, #tpu.memory_space<vmem>>, vector<16xf32>,
            %bitcast3A_203 = vector.bitcast %get3A_202 : vector<16xf32> to vector<32xbf16>
            %mul3A_204 = arith.mulf %bitcast3A_199, %bitcast3A_203 : vector<32xbf16>
            %get3A_205 = arith.index_cast %add3A_195 : i32 to index
            %get3A_206 = arith.constant 16 : index
            %get3A_207 = tpu.vector_load %arg10[%get3A_205, %get3A_206] {strides = array<i32>} : memref<80x64xf32, #tpu.memory_space<vmem>>, vector<16xf32>,
            %bitcast3A_208 = vector.bitcast %get3A_207 : vector<16xf32> to vector<32xbf16>
            %get3A_209 = arith.index_cast %add3A_195 : i32 to index
            %get3A_210 = arith.constant 16 : index
            %get3A_211 = tpu.vector_load %arg11[%get3A_209, %get3A_210] {strides = array<i32>} : memref<80x64xf32, #tpu.memory_space<vmem>>, vector<16xf32>,
            %bitcast3A_212 = vector.bitcast %get3A_211 : vector<16xf32> to vector<32xbf16>
            %mul3A_213 = arith.mulf %bitcast3A_208, %bitcast3A_212 : vector<32xbf16>
            %add3A_214 = arith.addf %mul3A_204, %mul3A_213 : vector<32xbf16>
            %unpack3A_215 = tpu.unpack_subelements %add3A_214, 0 {pack_format = #tpu.pack_format<interleaved>} : vector<32xbf16> -> vector<16xf32>
            %unpack3A_216 = tpu.unpack_subelements %add3A_214, 1 {pack_format = #tpu.pack_format<interleaved>} : vector<32xbf16> -> vector<16xf32>
            %add3A_217 = arith.addf %unpack3A_215, %unpack3A_216 : vector<16xf32>
            %reduce_sum3A_218 = arith.constant true
            %reduce_sum3A_219 = vector.broadcast %reduce_sum3A_218 : i1 to vector<16xi1>
            %reduce_sum3A_220 = tpu.scan <sum>, %add3A_217 masked %reduce_sum3A_219 : vector<16xf32>, vector<16xi1> -> vector<16xf32>
            %reduce_sum3A_221 = vector.extract %reduce_sum3A_220[15] : f32 from vector<16xf32>
            %eq3A_222 = vector.broadcast %add3A_192 : i32 to vector<16xi32>
            %eq3A_223 = arith.cmpi eq, %iota3A, %eq3A_222 : vector<16xi32>
            %broadcast_in_dim3A_224 = vector.broadcast %reduce_sum3A_221 : f32 to vector<16xf32>
            %select_n3A_225 = arith.select %eq3A_223, %broadcast_in_dim3A_224, %select_n3A_186 : vector<16xi1>, vector<16xf32>
            %scan3A_226 = arith.constant 3 : i32
            %scan3A_227 = arith.addi %scan3A_115, %scan3A_226 : i32
            %mul3A_228 = arith.constant 1 : i32
            %mul3A_229 = arith.muli %scan3A_227, %mul3A_228 : i32
            %add3A_230 = arith.constant 0 : i32
            %add3A_231 = arith.addi %add3A_230, %mul3A_229 : i32
            %mul3A_232 = arith.constant 16 : i32
            %mul3A_233 = arith.muli %add3A_101, %mul3A_232 : i32
            %add3A_234 = arith.addi %mul3A_233, %add3A_231 : i32
            %get3A_235 = arith.index_cast %add3A_234 : i32 to index
            %get3A_236 = arith.constant 0 : index
            %get3A_237 = tpu.vector_load %arg10[%get3A_235, %get3A_236] {strides = array<i32>} : memref<80x64xf32, #tpu.memory_space<vmem>>, vector<16xf32>,
            %bitcast3A_238 = vector.bitcast %get3A_237 : vector<16xf32> to vector<32xbf16>
            %get3A_239 = arith.index_cast %add3A_234 : i32 to index
            %get3A_240 = arith.constant 0 : index
            %get3A_241 = tpu.vector_load %arg11[%get3A_239, %get3A_240] {strides = array<i32>} : memref<80x64xf32, #tpu.memory_space<vmem>>, vector<16xf32>,
            %bitcast3A_242 = vector.bitcast %get3A_241 : vector<16xf32> to vector<32xbf16>
            %mul3A_243 = arith.mulf %bitcast3A_238, %bitcast3A_242 : vector<32xbf16>
            %get3A_244 = arith.index_cast %add3A_234 : i32 to index
            %get3A_245 = arith.constant 16 : index
            %get3A_246 = tpu.vector_load %arg10[%get3A_244, %get3A_245] {strides = array<i32>} : memref<80x64xf32, #tpu.memory_space<vmem>>, vector<16xf32>,
            %bitcast3A_247 = vector.bitcast %get3A_246 : vector<16xf32> to vector<32xbf16>
            %get3A_248 = arith.index_cast %add3A_234 : i32 to index
            %get3A_249 = arith.constant 16 : index
            %get3A_250 = tpu.vector_load %arg11[%get3A_248, %get3A_249] {strides = array<i32>} : memref<80x64xf32, #tpu.memory_space<vmem>>, vector<16xf32>,
            %bitcast3A_251 = vector.bitcast %get3A_250 : vector<16xf32> to vector<32xbf16>
            %mul3A_252 = arith.mulf %bitcast3A_247, %bitcast3A_251 : vector<32xbf16>
            %add3A_253 = arith.addf %mul3A_243, %mul3A_252 : vector<32xbf16>
            %unpack3A_254 = tpu.unpack_subelements %add3A_253, 0 {pack_format = #tpu.pack_format<interleaved>} : vector<32xbf16> -> vector<16xf32>
            %unpack3A_255 = tpu.unpack_subelements %add3A_253, 1 {pack_format = #tpu.pack_format<interleaved>} : vector<32xbf16> -> vector<16xf32>
            %add3A_256 = arith.addf %unpack3A_254, %unpack3A_255 : vector<16xf32>
            %reduce_sum3A_257 = arith.constant true
            %reduce_sum3A_258 = vector.broadcast %reduce_sum3A_257 : i1 to vector<16xi1>
            %reduce_sum3A_259 = tpu.scan <sum>, %add3A_256 masked %reduce_sum3A_258 : vector<16xf32>, vector<16xi1> -> vector<16xf32>
            %reduce_sum3A_260 = vector.extract %reduce_sum3A_259[15] : f32 from vector<16xf32>
            %eq3A_261 = vector.broadcast %add3A_231 : i32 to vector<16xi32>
            %eq3A_262 = arith.cmpi eq, %iota3A, %eq3A_261 : vector<16xi32>
            %broadcast_in_dim3A_263 = vector.broadcast %reduce_sum3A_260 : f32 to vector<16xf32>
            %select_n3A_264 = arith.select %eq3A_262, %broadcast_in_dim3A_263, %select_n3A_225 : vector<16xi1>, vector<16xf32>
            scf.yield %select_n3A_264 : vector<16xf32>
          }
          %scan3A_108 = arith.constant 16 : i32
          %mul3A_109 = arith.constant 80 : i32
          %mul3A_110 = arith.muli %add3A_56, %mul3A_109 : i32
          %mul3A_111 = arith.constant 16 : i32
          %mul3A_112 = arith.muli %add3A_101, %mul3A_111 : i32
          %add3A_113 = arith.addi %mul3A_110, %mul3A_112 : i32
          %swap3A = arith.index_cast %add3A_113 : i32 to index
          %swap3A_114 = tpu.vector_load %arg16[%swap3A] {strides = array<i32>} : memref<10000xf32, #tpu.memory_space<vmem>>, vector<16xf32>,
          tpu.vector_store %arg16[%swap3A], %scan3A_107 {strides = array<i32>} : memref<10000xf32, #tpu.memory_space<vmem>>, vector<16xf32>,
        }
        %scan3A_89 = arith.constant 5 : i32
        %add3A_90 = arith.constant 4 : i32
        %add3A_91 = arith.addi %add3A_56, %add3A_90 : i32
        %lt3A_92 = arith.constant 125 : i32
        %lt3A_93 = arith.cmpi slt, %add3A_91, %lt3A_92 : i32
        %convert_element_type3A_94 = arith.extui %lt3A_93 : i1 to i32
        %cond3A_95 = arith.constant 0 : i32
        %cond3A_96 = arith.cmpi ne, %convert_element_type3A_94, %cond3A_95 : i32
        scf.if %cond3A_96 {
          %add3A_97 = arith.constant 4 : i32
          %add3A_98 = arith.addi %add3A_56, %add3A_97 : i32
          %mul3A_99 = arith.constant 80 : i32
          %mul3A_100 = arith.muli %add3A_98, %mul3A_99 : i32
          %dma_start3A_101 = tpu.memref_slice %arg6[%mul3A_100] : memref<10000xi32, #tpu.memory_space<vmem>> -> memref<80xi32, #tpu.memory_space<vmem>>
          %dma_start3A_102 = arith.constant 0 : i32
          %dma_start3A_103 = arith.constant 0 : i32
          %dma_start3A_104 = tpu.memref_slice %arg2[%dma_start3A_102, %dma_start3A_103] : memref<10000x64xf32, #tpu.memory_space<hbm>> -> memref<10000x64xf32, #tpu.memory_space<hbm>>
          tpu.enqueue_indirect_dma source(%dma_start3A_104 : memref<10000x64xf32, #tpu.memory_space<hbm>>) target(%arg10 : memref<80x64xf32, #tpu.memory_space<vmem>>) offsets(%dma_start3A_101 : memref<80xi32, #tpu.memory_space<vmem>>) semaphore(%arg18 : memref<!tpu.dma_semaphore, #tpu.memory_space<semaphore_mem>>)
          %dma_start3A_105 = tpu.memref_slice %arg7[%mul3A_100] : memref<10000xi32, #tpu.memory_space<vmem>> -> memref<80xi32, #tpu.memory_space<vmem>>
          %dma_start3A_106 = arith.constant 0 : i32
          %dma_start3A_107 = arith.constant 0 : i32
          %dma_start3A_108 = tpu.memref_slice %arg2[%dma_start3A_106, %dma_start3A_107] : memref<10000x64xf32, #tpu.memory_space<hbm>> -> memref<10000x64xf32, #tpu.memory_space<hbm>>
          tpu.enqueue_indirect_dma source(%dma_start3A_108 : memref<10000x64xf32, #tpu.memory_space<hbm>>) target(%arg11 : memref<80x64xf32, #tpu.memory_space<vmem>>) offsets(%dma_start3A_105 : memref<80xi32, #tpu.memory_space<vmem>>) semaphore(%arg18 : memref<!tpu.dma_semaphore, #tpu.memory_space<semaphore_mem>>)
        } else {
        }
      } else {
      }
      %add3A_62 = arith.constant 2 : i32
      %add3A_63 = arith.addi %add3A_50, %add3A_62 : i32
      %lt3A_64 = arith.constant 125 : i32
      %lt3A_65 = arith.cmpi slt, %add3A_63, %lt3A_64 : i32
      %convert_element_type3A_66 = arith.extui %lt3A_65 : i1 to i32
      %cond3A_67 = arith.constant 0 : i32
      %cond3A_68 = arith.cmpi ne, %convert_element_type3A_66, %cond3A_67 : i32
      scf.if %cond3A_68 {
        %dma_wait3A = arith.constant 0 : i32
        %dma_wait3A_76 = tpu.memref_slice %arg6[%dma_wait3A] : memref<10000xi32, #tpu.memory_space<vmem>> -> memref<80xi32, #tpu.memory_space<vmem>>
        %dma_wait3A_77 = arith.constant 0 : i32
        %dma_wait3A_78 = arith.constant 0 : i32
        %dma_wait3A_79 = tpu.memref_slice %arg2[%dma_wait3A_77, %dma_wait3A_78] : memref<10000x64xf32, #tpu.memory_space<hbm>> -> memref<10000x64xf32, #tpu.memory_space<hbm>>
        tpu.wait_indirect_dma semaphore(%arg19 : memref<!tpu.dma_semaphore, #tpu.memory_space<semaphore_mem>>) src(%dma_wait3A_79 : memref<10000x64xf32, #tpu.memory_space<hbm>>) dst(%arg12 : memref<80x64xf32, #tpu.memory_space<vmem>>)
        %dma_wait3A_80 = arith.constant 0 : i32
        %dma_wait3A_81 = tpu.memref_slice %arg7[%dma_wait3A_80] : memref<10000xi32, #tpu.memory_space<vmem>> -> memref<80xi32, #tpu.memory_space<vmem>>
        %dma_wait3A_82 = arith.constant 0 : i32
        %dma_wait3A_83 = arith.constant 0 : i32
        %dma_wait3A_84 = tpu.memref_slice %arg2[%dma_wait3A_82, %dma_wait3A_83] : memref<10000x64xf32, #tpu.memory_space<hbm>> -> memref<10000x64xf32, #tpu.memory_space<hbm>>
        tpu.wait_indirect_dma semaphore(%arg19 : memref<!tpu.dma_semaphore, #tpu.memory_space<semaphore_mem>>) src(%dma_wait3A_84 : memref<10000x64xf32, #tpu.memory_space<hbm>>) dst(%arg13 : memref<80x64xf32, #tpu.memory_space<vmem>>)
        %scan3A_85 = arith.constant 0 : i32
        %scan3A_86 = arith.constant 5 : i32
        %scan3A_87 = arith.addi %scan3A_85, %scan3A_86 : i32
        %scan3A_88 = arith.constant 1 : i32
        scf.for %scan3A_97 = %scan3A_85 to %scan3A_87 step %scan3A_88  : i32 {
          %mul3A_98 = arith.constant 1 : i32
          %mul3A_99 = arith.muli %scan3A_97, %mul3A_98 : i32
          %add3A_100 = arith.constant 0 : i32
          %add3A_101 = arith.addi %add3A_100, %mul3A_99 : i32
          %broadcast_in_dim3A = arith.constant 0.000000e+00 : f32
          %broadcast_in_dim3A_102 = vector.broadcast %broadcast_in_dim3A : f32 to vector<16xf32>
          %scan3A_103 = arith.constant 0 : i32
          %scan3A_104 = arith.constant 16 : i32
          %scan3A_105 = arith.addi %scan3A_103, %scan3A_104 : i32
          %scan3A_106 = arith.constant 4 : i32
          %scan3A_107 = scf.for %scan3A_115 = %scan3A_103 to %scan3A_105 step %scan3A_106 iter_args(%scan3A_116 = %broadcast_in_dim3A_102) -> (vector<16xf32>)  : i32 {
            %mul3A_117 = arith.constant 1 : i32
            %mul3A_118 = arith.muli %scan3A_115, %mul3A_117 : i32
            %add3A_119 = arith.constant 0 : i32
            %add3A_120 = arith.addi %add3A_119, %mul3A_118 : i32
            %mul3A_121 = arith.constant 16 : i32
            %mul3A_122 = arith.muli %add3A_101, %mul3A_121 : i32
            %add3A_123 = arith.addi %mul3A_122, %add3A_120 : i32
            %get3A = arith.index_cast %add3A_123 : i32 to index
            %get3A_124 = arith.constant 0 : index
            %get3A_125 = tpu.vector_load %arg12[%get3A, %get3A_124] {strides = array<i32>} : memref<80x64xf32, #tpu.memory_space<vmem>>, vector<16xf32>,
            %bitcast3A = vector.bitcast %get3A_125 : vector<16xf32> to vector<32xbf16>
            %get3A_126 = arith.index_cast %add3A_123 : i32 to index
            %get3A_127 = arith.constant 0 : index
            %get3A_128 = tpu.vector_load %arg13[%get3A_126, %get3A_127] {strides = array<i32>} : memref<80x64xf32, #tpu.memory_space<vmem>>, vector<16xf32>,
            %bitcast3A_129 = vector.bitcast %get3A_128 : vector<16xf32> to vector<32xbf16>
            %mul3A_130 = arith.mulf %bitcast3A, %bitcast3A_129 : vector<32xbf16>
            %get3A_131 = arith.index_cast %add3A_123 : i32 to index
            %get3A_132 = arith.constant 16 : index
            %get3A_133 = tpu.vector_load %arg12[%get3A_131, %get3A_132] {strides = array<i32>} : memref<80x64xf32, #tpu.memory_space<vmem>>, vector<16xf32>,
            %bitcast3A_134 = vector.bitcast %get3A_133 : vector<16xf32> to vector<32xbf16>
            %get3A_135 = arith.index_cast %add3A_123 : i32 to index
            %get3A_136 = arith.constant 16 : index
            %get3A_137 = tpu.vector_load %arg13[%get3A_135, %get3A_136] {strides = array<i32>} : memref<80x64xf32, #tpu.memory_space<vmem>>, vector<16xf32>,
            %bitcast3A_138 = vector.bitcast %get3A_137 : vector<16xf32> to vector<32xbf16>
            %mul3A_139 = arith.mulf %bitcast3A_134, %bitcast3A_138 : vector<32xbf16>
            %add3A_140 = arith.addf %mul3A_130, %mul3A_139 : vector<32xbf16>
            %unpack3A = tpu.unpack_subelements %add3A_140, 0 {pack_format = #tpu.pack_format<interleaved>} : vector<32xbf16> -> vector<16xf32>
            %unpack3A_141 = tpu.unpack_subelements %add3A_140, 1 {pack_format = #tpu.pack_format<interleaved>} : vector<32xbf16> -> vector<16xf32>
            %add3A_142 = arith.addf %unpack3A, %unpack3A_141 : vector<16xf32>
            %reduce_sum3A = arith.constant true
            %reduce_sum3A_143 = vector.broadcast %reduce_sum3A : i1 to vector<16xi1>
            %reduce_sum3A_144 = tpu.scan <sum>, %add3A_142 masked %reduce_sum3A_143 : vector<16xf32>, vector<16xi1> -> vector<16xf32>
            %reduce_sum3A_145 = vector.extract %reduce_sum3A_144[15] : f32 from vector<16xf32>
            %eq3A = vector.broadcast %add3A_120 : i32 to vector<16xi32>
            %eq3A_146 = arith.cmpi eq, %iota3A, %eq3A : vector<16xi32>
            %broadcast_in_dim3A_147 = vector.broadcast %reduce_sum3A_145 : f32 to vector<16xf32>
            %select_n3A = arith.select %eq3A_146, %broadcast_in_dim3A_147, %scan3A_116 : vector<16xi1>, vector<16xf32>
            %scan3A_148 = arith.constant 1 : i32
            %scan3A_149 = arith.addi %scan3A_115, %scan3A_148 : i32
            %mul3A_150 = arith.constant 1 : i32
            %mul3A_151 = arith.muli %scan3A_149, %mul3A_150 : i32
            %add3A_152 = arith.constant 0 : i32
            %add3A_153 = arith.addi %add3A_152, %mul3A_151 : i32
            %mul3A_154 = arith.constant 16 : i32
            %mul3A_155 = arith.muli %add3A_101, %mul3A_154 : i32
            %add3A_156 = arith.addi %mul3A_155, %add3A_153 : i32
            %get3A_157 = arith.index_cast %add3A_156 : i32 to index
            %get3A_158 = arith.constant 0 : index
            %get3A_159 = tpu.vector_load %arg12[%get3A_157, %get3A_158] {strides = array<i32>} : memref<80x64xf32, #tpu.memory_space<vmem>>, vector<16xf32>,
            %bitcast3A_160 = vector.bitcast %get3A_159 : vector<16xf32> to vector<32xbf16>
            %get3A_161 = arith.index_cast %add3A_156 : i32 to index
            %get3A_162 = arith.constant 0 : index
            %get3A_163 = tpu.vector_load %arg13[%get3A_161, %get3A_162] {strides = array<i32>} : memref<80x64xf32, #tpu.memory_space<vmem>>, vector<16xf32>,
            %bitcast3A_164 = vector.bitcast %get3A_163 : vector<16xf32> to vector<32xbf16>
            %mul3A_165 = arith.mulf %bitcast3A_160, %bitcast3A_164 : vector<32xbf16>
            %get3A_166 = arith.index_cast %add3A_156 : i32 to index
            %get3A_167 = arith.constant 16 : index
            %get3A_168 = tpu.vector_load %arg12[%get3A_166, %get3A_167] {strides = array<i32>} : memref<80x64xf32, #tpu.memory_space<vmem>>, vector<16xf32>,
            %bitcast3A_169 = vector.bitcast %get3A_168 : vector<16xf32> to vector<32xbf16>
            %get3A_170 = arith.index_cast %add3A_156 : i32 to index
            %get3A_171 = arith.constant 16 : index
            %get3A_172 = tpu.vector_load %arg13[%get3A_170, %get3A_171] {strides = array<i32>} : memref<80x64xf32, #tpu.memory_space<vmem>>, vector<16xf32>,
            %bitcast3A_173 = vector.bitcast %get3A_172 : vector<16xf32> to vector<32xbf16>
            %mul3A_174 = arith.mulf %bitcast3A_169, %bitcast3A_173 : vector<32xbf16>
            %add3A_175 = arith.addf %mul3A_165, %mul3A_174 : vector<32xbf16>
            %unpack3A_176 = tpu.unpack_subelements %add3A_175, 0 {pack_format = #tpu.pack_format<interleaved>} : vector<32xbf16> -> vector<16xf32>
            %unpack3A_177 = tpu.unpack_subelements %add3A_175, 1 {pack_format = #tpu.pack_format<interleaved>} : vector<32xbf16> -> vector<16xf32>
            %add3A_178 = arith.addf %unpack3A_176, %unpack3A_177 : vector<16xf32>
            %reduce_sum3A_179 = arith.constant true
            %reduce_sum3A_180 = vector.broadcast %reduce_sum3A_179 : i1 to vector<16xi1>
            %reduce_sum3A_181 = tpu.scan <sum>, %add3A_178 masked %reduce_sum3A_180 : vector<16xf32>, vector<16xi1> -> vector<16xf32>
            %reduce_sum3A_182 = vector.extract %reduce_sum3A_181[15] : f32 from vector<16xf32>
            %eq3A_183 = vector.broadcast %add3A_153 : i32 to vector<16xi32>
            %eq3A_184 = arith.cmpi eq, %iota3A, %eq3A_183 : vector<16xi32>
            %broadcast_in_dim3A_185 = vector.broadcast %reduce_sum3A_182 : f32 to vector<16xf32>
            %select_n3A_186 = arith.select %eq3A_184, %broadcast_in_dim3A_185, %select_n3A : vector<16xi1>, vector<16xf32>
            %scan3A_187 = arith.constant 2 : i32
            %scan3A_188 = arith.addi %scan3A_115, %scan3A_187 : i32
            %mul3A_189 = arith.constant 1 : i32
            %mul3A_190 = arith.muli %scan3A_188, %mul3A_189 : i32
            %add3A_191 = arith.constant 0 : i32
            %add3A_192 = arith.addi %add3A_191, %mul3A_190 : i32
            %mul3A_193 = arith.constant 16 : i32
            %mul3A_194 = arith.muli %add3A_101, %mul3A_193 : i32
            %add3A_195 = arith.addi %mul3A_194, %add3A_192 : i32
            %get3A_196 = arith.index_cast %add3A_195 : i32 to index
            %get3A_197 = arith.constant 0 : index
            %get3A_198 = tpu.vector_load %arg12[%get3A_196, %get3A_197] {strides = array<i32>} : memref<80x64xf32, #tpu.memory_space<vmem>>, vector<16xf32>,
            %bitcast3A_199 = vector.bitcast %get3A_198 : vector<16xf32> to vector<32xbf16>
            %get3A_200 = arith.index_cast %add3A_195 : i32 to index
            %get3A_201 = arith.constant 0 : index
            %get3A_202 = tpu.vector_load %arg13[%get3A_200, %get3A_201] {strides = array<i32>} : memref<80x64xf32, #tpu.memory_space<vmem>>, vector<16xf32>,
            %bitcast3A_203 = vector.bitcast %get3A_202 : vector<16xf32> to vector<32xbf16>
            %mul3A_204 = arith.mulf %bitcast3A_199, %bitcast3A_203 : vector<32xbf16>
            %get3A_205 = arith.index_cast %add3A_195 : i32 to index
            %get3A_206 = arith.constant 16 : index
            %get3A_207 = tpu.vector_load %arg12[%get3A_205, %get3A_206] {strides = array<i32>} : memref<80x64xf32, #tpu.memory_space<vmem>>, vector<16xf32>,
            %bitcast3A_208 = vector.bitcast %get3A_207 : vector<16xf32> to vector<32xbf16>
            %get3A_209 = arith.index_cast %add3A_195 : i32 to index
            %get3A_210 = arith.constant 16 : index
            %get3A_211 = tpu.vector_load %arg13[%get3A_209, %get3A_210] {strides = array<i32>} : memref<80x64xf32, #tpu.memory_space<vmem>>, vector<16xf32>,
            %bitcast3A_212 = vector.bitcast %get3A_211 : vector<16xf32> to vector<32xbf16>
            %mul3A_213 = arith.mulf %bitcast3A_208, %bitcast3A_212 : vector<32xbf16>
            %add3A_214 = arith.addf %mul3A_204, %mul3A_213 : vector<32xbf16>
            %unpack3A_215 = tpu.unpack_subelements %add3A_214, 0 {pack_format = #tpu.pack_format<interleaved>} : vector<32xbf16> -> vector<16xf32>
            %unpack3A_216 = tpu.unpack_subelements %add3A_214, 1 {pack_format = #tpu.pack_format<interleaved>} : vector<32xbf16> -> vector<16xf32>
            %add3A_217 = arith.addf %unpack3A_215, %unpack3A_216 : vector<16xf32>
            %reduce_sum3A_218 = arith.constant true
            %reduce_sum3A_219 = vector.broadcast %reduce_sum3A_218 : i1 to vector<16xi1>
            %reduce_sum3A_220 = tpu.scan <sum>, %add3A_217 masked %reduce_sum3A_219 : vector<16xf32>, vector<16xi1> -> vector<16xf32>
            %reduce_sum3A_221 = vector.extract %reduce_sum3A_220[15] : f32 from vector<16xf32>
            %eq3A_222 = vector.broadcast %add3A_192 : i32 to vector<16xi32>
            %eq3A_223 = arith.cmpi eq, %iota3A, %eq3A_222 : vector<16xi32>
            %broadcast_in_dim3A_224 = vector.broadcast %reduce_sum3A_221 : f32 to vector<16xf32>
            %select_n3A_225 = arith.select %eq3A_223, %broadcast_in_dim3A_224, %select_n3A_186 : vector<16xi1>, vector<16xf32>
            %scan3A_226 = arith.constant 3 : i32
            %scan3A_227 = arith.addi %scan3A_115, %scan3A_226 : i32
            %mul3A_228 = arith.constant 1 : i32
            %mul3A_229 = arith.muli %scan3A_227, %mul3A_228 : i32
            %add3A_230 = arith.constant 0 : i32
            %add3A_231 = arith.addi %add3A_230, %mul3A_229 : i32
            %mul3A_232 = arith.constant 16 : i32
            %mul3A_233 = arith.muli %add3A_101, %mul3A_232 : i32
            %add3A_234 = arith.addi %mul3A_233, %add3A_231 : i32
            %get3A_235 = arith.index_cast %add3A_234 : i32 to index
            %get3A_236 = arith.constant 0 : index
            %get3A_237 = tpu.vector_load %arg12[%get3A_235, %get3A_236] {strides = array<i32>} : memref<80x64xf32, #tpu.memory_space<vmem>>, vector<16xf32>,
            %bitcast3A_238 = vector.bitcast %get3A_237 : vector<16xf32> to vector<32xbf16>
            %get3A_239 = arith.index_cast %add3A_234 : i32 to index
            %get3A_240 = arith.constant 0 : index
            %get3A_241 = tpu.vector_load %arg13[%get3A_239, %get3A_240] {strides = array<i32>} : memref<80x64xf32, #tpu.memory_space<vmem>>, vector<16xf32>,
            %bitcast3A_242 = vector.bitcast %get3A_241 : vector<16xf32> to vector<32xbf16>
            %mul3A_243 = arith.mulf %bitcast3A_238, %bitcast3A_242 : vector<32xbf16>
            %get3A_244 = arith.index_cast %add3A_234 : i32 to index
            %get3A_245 = arith.constant 16 : index
            %get3A_246 = tpu.vector_load %arg12[%get3A_244, %get3A_245] {strides = array<i32>} : memref<80x64xf32, #tpu.memory_space<vmem>>, vector<16xf32>,
            %bitcast3A_247 = vector.bitcast %get3A_246 : vector<16xf32> to vector<32xbf16>
            %get3A_248 = arith.index_cast %add3A_234 : i32 to index
            %get3A_249 = arith.constant 16 : index
            %get3A_250 = tpu.vector_load %arg13[%get3A_248, %get3A_249] {strides = array<i32>} : memref<80x64xf32, #tpu.memory_space<vmem>>, vector<16xf32>,
            %bitcast3A_251 = vector.bitcast %get3A_250 : vector<16xf32> to vector<32xbf16>
            %mul3A_252 = arith.mulf %bitcast3A_247, %bitcast3A_251 : vector<32xbf16>
            %add3A_253 = arith.addf %mul3A_243, %mul3A_252 : vector<32xbf16>
            %unpack3A_254 = tpu.unpack_subelements %add3A_253, 0 {pack_format = #tpu.pack_format<interleaved>} : vector<32xbf16> -> vector<16xf32>
            %unpack3A_255 = tpu.unpack_subelements %add3A_253, 1 {pack_format = #tpu.pack_format<interleaved>} : vector<32xbf16> -> vector<16xf32>
            %add3A_256 = arith.addf %unpack3A_254, %unpack3A_255 : vector<16xf32>
            %reduce_sum3A_257 = arith.constant true
            %reduce_sum3A_258 = vector.broadcast %reduce_sum3A_257 : i1 to vector<16xi1>
            %reduce_sum3A_259 = tpu.scan <sum>, %add3A_256 masked %reduce_sum3A_258 : vector<16xf32>, vector<16xi1> -> vector<16xf32>
            %reduce_sum3A_260 = vector.extract %reduce_sum3A_259[15] : f32 from vector<16xf32>
            %eq3A_261 = vector.broadcast %add3A_231 : i32 to vector<16xi32>
            %eq3A_262 = arith.cmpi eq, %iota3A, %eq3A_261 : vector<16xi32>
            %broadcast_in_dim3A_263 = vector.broadcast %reduce_sum3A_260 : f32 to vector<16xf32>
            %select_n3A_264 = arith.select %eq3A_262, %broadcast_in_dim3A_263, %select_n3A_225 : vector<16xi1>, vector<16xf32>
            scf.yield %select_n3A_264 : vector<16xf32>
          }
          %scan3A_108 = arith.constant 16 : i32
          %mul3A_109 = arith.constant 80 : i32
          %mul3A_110 = arith.muli %add3A_63, %mul3A_109 : i32
          %mul3A_111 = arith.constant 16 : i32
          %mul3A_112 = arith.muli %add3A_101, %mul3A_111 : i32
          %add3A_113 = arith.addi %mul3A_110, %mul3A_112 : i32
          %swap3A = arith.index_cast %add3A_113 : i32 to index
          %swap3A_114 = tpu.vector_load %arg16[%swap3A] {strides = array<i32>} : memref<10000xf32, #tpu.memory_space<vmem>>, vector<16xf32>,
          tpu.vector_store %arg16[%swap3A], %scan3A_107 {strides = array<i32>} : memref<10000xf32, #tpu.memory_space<vmem>>, vector<16xf32>,
        }
        %scan3A_89 = arith.constant 5 : i32
        %add3A_90 = arith.constant 4 : i32
        %add3A_91 = arith.addi %add3A_63, %add3A_90 : i32
        %lt3A_92 = arith.constant 125 : i32
        %lt3A_93 = arith.cmpi slt, %add3A_91, %lt3A_92 : i32
        %convert_element_type3A_94 = arith.extui %lt3A_93 : i1 to i32
        %cond3A_95 = arith.constant 0 : i32
        %cond3A_96 = arith.cmpi ne, %convert_element_type3A_94, %cond3A_95 : i32
        scf.if %cond3A_96 {
          %add3A_97 = arith.constant 4 : i32
          %add3A_98 = arith.addi %add3A_63, %add3A_97 : i32
          %mul3A_99 = arith.constant 80 : i32
          %mul3A_100 = arith.muli %add3A_98, %mul3A_99 : i32
          %dma_start3A_101 = tpu.memref_slice %arg6[%mul3A_100] : memref<10000xi32, #tpu.memory_space<vmem>> -> memref<80xi32, #tpu.memory_space<vmem>>
          %dma_start3A_102 = arith.constant 0 : i32
          %dma_start3A_103 = arith.constant 0 : i32
          %dma_start3A_104 = tpu.memref_slice %arg2[%dma_start3A_102, %dma_start3A_103] : memref<10000x64xf32, #tpu.memory_space<hbm>> -> memref<10000x64xf32, #tpu.memory_space<hbm>>
          tpu.enqueue_indirect_dma source(%dma_start3A_104 : memref<10000x64xf32, #tpu.memory_space<hbm>>) target(%arg12 : memref<80x64xf32, #tpu.memory_space<vmem>>) offsets(%dma_start3A_101 : memref<80xi32, #tpu.memory_space<vmem>>) semaphore(%arg19 : memref<!tpu.dma_semaphore, #tpu.memory_space<semaphore_mem>>)
          %dma_start3A_105 = tpu.memref_slice %arg7[%mul3A_100] : memref<10000xi32, #tpu.memory_space<vmem>> -> memref<80xi32, #tpu.memory_space<vmem>>
          %dma_start3A_106 = arith.constant 0 : i32
          %dma_start3A_107 = arith.constant 0 : i32
          %dma_start3A_108 = tpu.memref_slice %arg2[%dma_start3A_106, %dma_start3A_107] : memref<10000x64xf32, #tpu.memory_space<hbm>> -> memref<10000x64xf32, #tpu.memory_space<hbm>>
          tpu.enqueue_indirect_dma source(%dma_start3A_108 : memref<10000x64xf32, #tpu.memory_space<hbm>>) target(%arg13 : memref<80x64xf32, #tpu.memory_space<vmem>>) offsets(%dma_start3A_105 : memref<80xi32, #tpu.memory_space<vmem>>) semaphore(%arg19 : memref<!tpu.dma_semaphore, #tpu.memory_space<semaphore_mem>>)
        } else {
        }
      } else {
      }
      %add3A_69 = arith.constant 3 : i32
      %add3A_70 = arith.addi %add3A_50, %add3A_69 : i32
      %lt3A_71 = arith.constant 125 : i32
      %lt3A_72 = arith.cmpi slt, %add3A_70, %lt3A_71 : i32
      %convert_element_type3A_73 = arith.extui %lt3A_72 : i1 to i32
      %cond3A_74 = arith.constant 0 : i32
      %cond3A_75 = arith.cmpi ne, %convert_element_type3A_73, %cond3A_74 : i32
      scf.if %cond3A_75 {
        %dma_wait3A = arith.constant 0 : i32
        %dma_wait3A_76 = tpu.memref_slice %arg6[%dma_wait3A] : memref<10000xi32, #tpu.memory_space<vmem>> -> memref<80xi32, #tpu.memory_space<vmem>>
        %dma_wait3A_77 = arith.constant 0 : i32
        %dma_wait3A_78 = arith.constant 0 : i32
        %dma_wait3A_79 = tpu.memref_slice %arg2[%dma_wait3A_77, %dma_wait3A_78] : memref<10000x64xf32, #tpu.memory_space<hbm>> -> memref<10000x64xf32, #tpu.memory_space<hbm>>
        tpu.wait_indirect_dma semaphore(%arg20 : memref<!tpu.dma_semaphore, #tpu.memory_space<semaphore_mem>>) src(%dma_wait3A_79 : memref<10000x64xf32, #tpu.memory_space<hbm>>) dst(%arg14 : memref<80x64xf32, #tpu.memory_space<vmem>>)
        %dma_wait3A_80 = arith.constant 0 : i32
        %dma_wait3A_81 = tpu.memref_slice %arg7[%dma_wait3A_80] : memref<10000xi32, #tpu.memory_space<vmem>> -> memref<80xi32, #tpu.memory_space<vmem>>
        %dma_wait3A_82 = arith.constant 0 : i32
        %dma_wait3A_83 = arith.constant 0 : i32
        %dma_wait3A_84 = tpu.memref_slice %arg2[%dma_wait3A_82, %dma_wait3A_83] : memref<10000x64xf32, #tpu.memory_space<hbm>> -> memref<10000x64xf32, #tpu.memory_space<hbm>>
        tpu.wait_indirect_dma semaphore(%arg20 : memref<!tpu.dma_semaphore, #tpu.memory_space<semaphore_mem>>) src(%dma_wait3A_84 : memref<10000x64xf32, #tpu.memory_space<hbm>>) dst(%arg15 : memref<80x64xf32, #tpu.memory_space<vmem>>)
        %scan3A_85 = arith.constant 0 : i32
        %scan3A_86 = arith.constant 5 : i32
        %scan3A_87 = arith.addi %scan3A_85, %scan3A_86 : i32
        %scan3A_88 = arith.constant 1 : i32
        scf.for %scan3A_97 = %scan3A_85 to %scan3A_87 step %scan3A_88  : i32 {
          %mul3A_98 = arith.constant 1 : i32
          %mul3A_99 = arith.muli %scan3A_97, %mul3A_98 : i32
          %add3A_100 = arith.constant 0 : i32
          %add3A_101 = arith.addi %add3A_100, %mul3A_99 : i32
          %broadcast_in_dim3A = arith.constant 0.000000e+00 : f32
          %broadcast_in_dim3A_102 = vector.broadcast %broadcast_in_dim3A : f32 to vector<16xf32>
          %scan3A_103 = arith.constant 0 : i32
          %scan3A_104 = arith.constant 16 : i32
          %scan3A_105 = arith.addi %scan3A_103, %scan3A_104 : i32
          %scan3A_106 = arith.constant 4 : i32
          %scan3A_107 = scf.for %scan3A_115 = %scan3A_103 to %scan3A_105 step %scan3A_106 iter_args(%scan3A_116 = %broadcast_in_dim3A_102) -> (vector<16xf32>)  : i32 {
            %mul3A_117 = arith.constant 1 : i32
            %mul3A_118 = arith.muli %scan3A_115, %mul3A_117 : i32
            %add3A_119 = arith.constant 0 : i32
            %add3A_120 = arith.addi %add3A_119, %mul3A_118 : i32
            %mul3A_121 = arith.constant 16 : i32
            %mul3A_122 = arith.muli %add3A_101, %mul3A_121 : i32
            %add3A_123 = arith.addi %mul3A_122, %add3A_120 : i32
            %get3A = arith.index_cast %add3A_123 : i32 to index
            %get3A_124 = arith.constant 0 : index
            %get3A_125 = tpu.vector_load %arg14[%get3A, %get3A_124] {strides = array<i32>} : memref<80x64xf32, #tpu.memory_space<vmem>>, vector<16xf32>,
            %bitcast3A = vector.bitcast %get3A_125 : vector<16xf32> to vector<32xbf16>
            %get3A_126 = arith.index_cast %add3A_123 : i32 to index
            %get3A_127 = arith.constant 0 : index
            %get3A_128 = tpu.vector_load %arg15[%get3A_126, %get3A_127] {strides = array<i32>} : memref<80x64xf32, #tpu.memory_space<vmem>>, vector<16xf32>,
            %bitcast3A_129 = vector.bitcast %get3A_128 : vector<16xf32> to vector<32xbf16>
            %mul3A_130 = arith.mulf %bitcast3A, %bitcast3A_129 : vector<32xbf16>
            %get3A_131 = arith.index_cast %add3A_123 : i32 to index
            %get3A_132 = arith.constant 16 : index
            %get3A_133 = tpu.vector_load %arg14[%get3A_131, %get3A_132] {strides = array<i32>} : memref<80x64xf32, #tpu.memory_space<vmem>>, vector<16xf32>,
            %bitcast3A_134 = vector.bitcast %get3A_133 : vector<16xf32> to vector<32xbf16>
            %get3A_135 = arith.index_cast %add3A_123 : i32 to index
            %get3A_136 = arith.constant 16 : index
            %get3A_137 = tpu.vector_load %arg15[%get3A_135, %get3A_136] {strides = array<i32>} : memref<80x64xf32, #tpu.memory_space<vmem>>, vector<16xf32>,
            %bitcast3A_138 = vector.bitcast %get3A_137 : vector<16xf32> to vector<32xbf16>
            %mul3A_139 = arith.mulf %bitcast3A_134, %bitcast3A_138 : vector<32xbf16>
            %add3A_140 = arith.addf %mul3A_130, %mul3A_139 : vector<32xbf16>
            %unpack3A = tpu.unpack_subelements %add3A_140, 0 {pack_format = #tpu.pack_format<interleaved>} : vector<32xbf16> -> vector<16xf32>
            %unpack3A_141 = tpu.unpack_subelements %add3A_140, 1 {pack_format = #tpu.pack_format<interleaved>} : vector<32xbf16> -> vector<16xf32>
            %add3A_142 = arith.addf %unpack3A, %unpack3A_141 : vector<16xf32>
            %reduce_sum3A = arith.constant true
            %reduce_sum3A_143 = vector.broadcast %reduce_sum3A : i1 to vector<16xi1>
            %reduce_sum3A_144 = tpu.scan <sum>, %add3A_142 masked %reduce_sum3A_143 : vector<16xf32>, vector<16xi1> -> vector<16xf32>
            %reduce_sum3A_145 = vector.extract %reduce_sum3A_144[15] : f32 from vector<16xf32>
            %eq3A = vector.broadcast %add3A_120 : i32 to vector<16xi32>
            %eq3A_146 = arith.cmpi eq, %iota3A, %eq3A : vector<16xi32>
            %broadcast_in_dim3A_147 = vector.broadcast %reduce_sum3A_145 : f32 to vector<16xf32>
            %select_n3A = arith.select %eq3A_146, %broadcast_in_dim3A_147, %scan3A_116 : vector<16xi1>, vector<16xf32>
            %scan3A_148 = arith.constant 1 : i32
            %scan3A_149 = arith.addi %scan3A_115, %scan3A_148 : i32
            %mul3A_150 = arith.constant 1 : i32
            %mul3A_151 = arith.muli %scan3A_149, %mul3A_150 : i32
            %add3A_152 = arith.constant 0 : i32
            %add3A_153 = arith.addi %add3A_152, %mul3A_151 : i32
            %mul3A_154 = arith.constant 16 : i32
            %mul3A_155 = arith.muli %add3A_101, %mul3A_154 : i32
            %add3A_156 = arith.addi %mul3A_155, %add3A_153 : i32
            %get3A_157 = arith.index_cast %add3A_156 : i32 to index
            %get3A_158 = arith.constant 0 : index
            %get3A_159 = tpu.vector_load %arg14[%get3A_157, %get3A_158] {strides = array<i32>} : memref<80x64xf32, #tpu.memory_space<vmem>>, vector<16xf32>,
            %bitcast3A_160 = vector.bitcast %get3A_159 : vector<16xf32> to vector<32xbf16>
            %get3A_161 = arith.index_cast %add3A_156 : i32 to index
            %get3A_162 = arith.constant 0 : index
            %get3A_163 = tpu.vector_load %arg15[%get3A_161, %get3A_162] {strides = array<i32>} : memref<80x64xf32, #tpu.memory_space<vmem>>, vector<16xf32>,
            %bitcast3A_164 = vector.bitcast %get3A_163 : vector<16xf32> to vector<32xbf16>
            %mul3A_165 = arith.mulf %bitcast3A_160, %bitcast3A_164 : vector<32xbf16>
            %get3A_166 = arith.index_cast %add3A_156 : i32 to index
            %get3A_167 = arith.constant 16 : index
            %get3A_168 = tpu.vector_load %arg14[%get3A_166, %get3A_167] {strides = array<i32>} : memref<80x64xf32, #tpu.memory_space<vmem>>, vector<16xf32>,
            %bitcast3A_169 = vector.bitcast %get3A_168 : vector<16xf32> to vector<32xbf16>
            %get3A_170 = arith.index_cast %add3A_156 : i32 to index
            %get3A_171 = arith.constant 16 : index
            %get3A_172 = tpu.vector_load %arg15[%get3A_170, %get3A_171] {strides = array<i32>} : memref<80x64xf32, #tpu.memory_space<vmem>>, vector<16xf32>,
            %bitcast3A_173 = vector.bitcast %get3A_172 : vector<16xf32> to vector<32xbf16>
            %mul3A_174 = arith.mulf %bitcast3A_169, %bitcast3A_173 : vector<32xbf16>
            %add3A_175 = arith.addf %mul3A_165, %mul3A_174 : vector<32xbf16>
            %unpack3A_176 = tpu.unpack_subelements %add3A_175, 0 {pack_format = #tpu.pack_format<interleaved>} : vector<32xbf16> -> vector<16xf32>
            %unpack3A_177 = tpu.unpack_subelements %add3A_175, 1 {pack_format = #tpu.pack_format<interleaved>} : vector<32xbf16> -> vector<16xf32>
            %add3A_178 = arith.addf %unpack3A_176, %unpack3A_177 : vector<16xf32>
            %reduce_sum3A_179 = arith.constant true
            %reduce_sum3A_180 = vector.broadcast %reduce_sum3A_179 : i1 to vector<16xi1>
            %reduce_sum3A_181 = tpu.scan <sum>, %add3A_178 masked %reduce_sum3A_180 : vector<16xf32>, vector<16xi1> -> vector<16xf32>
            %reduce_sum3A_182 = vector.extract %reduce_sum3A_181[15] : f32 from vector<16xf32>
            %eq3A_183 = vector.broadcast %add3A_153 : i32 to vector<16xi32>
            %eq3A_184 = arith.cmpi eq, %iota3A, %eq3A_183 : vector<16xi32>
            %broadcast_in_dim3A_185 = vector.broadcast %reduce_sum3A_182 : f32 to vector<16xf32>
            %select_n3A_186 = arith.select %eq3A_184, %broadcast_in_dim3A_185, %select_n3A : vector<16xi1>, vector<16xf32>
            %scan3A_187 = arith.constant 2 : i32
            %scan3A_188 = arith.addi %scan3A_115, %scan3A_187 : i32
            %mul3A_189 = arith.constant 1 : i32
            %mul3A_190 = arith.muli %scan3A_188, %mul3A_189 : i32
            %add3A_191 = arith.constant 0 : i32
            %add3A_192 = arith.addi %add3A_191, %mul3A_190 : i32
            %mul3A_193 = arith.constant 16 : i32
            %mul3A_194 = arith.muli %add3A_101, %mul3A_193 : i32
            %add3A_195 = arith.addi %mul3A_194, %add3A_192 : i32
            %get3A_196 = arith.index_cast %add3A_195 : i32 to index
            %get3A_197 = arith.constant 0 : index
            %get3A_198 = tpu.vector_load %arg14[%get3A_196, %get3A_197] {strides = array<i32>} : memref<80x64xf32, #tpu.memory_space<vmem>>, vector<16xf32>,
            %bitcast3A_199 = vector.bitcast %get3A_198 : vector<16xf32> to vector<32xbf16>
            %get3A_200 = arith.index_cast %add3A_195 : i32 to index
            %get3A_201 = arith.constant 0 : index
            %get3A_202 = tpu.vector_load %arg15[%get3A_200, %get3A_201] {strides = array<i32>} : memref<80x64xf32, #tpu.memory_space<vmem>>, vector<16xf32>,
            %bitcast3A_203 = vector.bitcast %get3A_202 : vector<16xf32> to vector<32xbf16>
            %mul3A_204 = arith.mulf %bitcast3A_199, %bitcast3A_203 : vector<32xbf16>
            %get3A_205 = arith.index_cast %add3A_195 : i32 to index
            %get3A_206 = arith.constant 16 : index
            %get3A_207 = tpu.vector_load %arg14[%get3A_205, %get3A_206] {strides = array<i32>} : memref<80x64xf32, #tpu.memory_space<vmem>>, vector<16xf32>,
            %bitcast3A_208 = vector.bitcast %get3A_207 : vector<16xf32> to vector<32xbf16>
            %get3A_209 = arith.index_cast %add3A_195 : i32 to index
            %get3A_210 = arith.constant 16 : index
            %get3A_211 = tpu.vector_load %arg15[%get3A_209, %get3A_210] {strides = array<i32>} : memref<80x64xf32, #tpu.memory_space<vmem>>, vector<16xf32>,
            %bitcast3A_212 = vector.bitcast %get3A_211 : vector<16xf32> to vector<32xbf16>
            %mul3A_213 = arith.mulf %bitcast3A_208, %bitcast3A_212 : vector<32xbf16>
            %add3A_214 = arith.addf %mul3A_204, %mul3A_213 : vector<32xbf16>
            %unpack3A_215 = tpu.unpack_subelements %add3A_214, 0 {pack_format = #tpu.pack_format<interleaved>} : vector<32xbf16> -> vector<16xf32>
            %unpack3A_216 = tpu.unpack_subelements %add3A_214, 1 {pack_format = #tpu.pack_format<interleaved>} : vector<32xbf16> -> vector<16xf32>
            %add3A_217 = arith.addf %unpack3A_215, %unpack3A_216 : vector<16xf32>
            %reduce_sum3A_218 = arith.constant true
            %reduce_sum3A_219 = vector.broadcast %reduce_sum3A_218 : i1 to vector<16xi1>
            %reduce_sum3A_220 = tpu.scan <sum>, %add3A_217 masked %reduce_sum3A_219 : vector<16xf32>, vector<16xi1> -> vector<16xf32>
            %reduce_sum3A_221 = vector.extract %reduce_sum3A_220[15] : f32 from vector<16xf32>
            %eq3A_222 = vector.broadcast %add3A_192 : i32 to vector<16xi32>
            %eq3A_223 = arith.cmpi eq, %iota3A, %eq3A_222 : vector<16xi32>
            %broadcast_in_dim3A_224 = vector.broadcast %reduce_sum3A_221 : f32 to vector<16xf32>
            %select_n3A_225 = arith.select %eq3A_223, %broadcast_in_dim3A_224, %select_n3A_186 : vector<16xi1>, vector<16xf32>
            %scan3A_226 = arith.constant 3 : i32
            %scan3A_227 = arith.addi %scan3A_115, %scan3A_226 : i32
            %mul3A_228 = arith.constant 1 : i32
            %mul3A_229 = arith.muli %scan3A_227, %mul3A_228 : i32
            %add3A_230 = arith.constant 0 : i32
            %add3A_231 = arith.addi %add3A_230, %mul3A_229 : i32
            %mul3A_232 = arith.constant 16 : i32
            %mul3A_233 = arith.muli %add3A_101, %mul3A_232 : i32
            %add3A_234 = arith.addi %mul3A_233, %add3A_231 : i32
            %get3A_235 = arith.index_cast %add3A_234 : i32 to index
            %get3A_236 = arith.constant 0 : index
            %get3A_237 = tpu.vector_load %arg14[%get3A_235, %get3A_236] {strides = array<i32>} : memref<80x64xf32, #tpu.memory_space<vmem>>, vector<16xf32>,
            %bitcast3A_238 = vector.bitcast %get3A_237 : vector<16xf32> to vector<32xbf16>
            %get3A_239 = arith.index_cast %add3A_234 : i32 to index
            %get3A_240 = arith.constant 0 : index
            %get3A_241 = tpu.vector_load %arg15[%get3A_239, %get3A_240] {strides = array<i32>} : memref<80x64xf32, #tpu.memory_space<vmem>>, vector<16xf32>,
            %bitcast3A_242 = vector.bitcast %get3A_241 : vector<16xf32> to vector<32xbf16>
            %mul3A_243 = arith.mulf %bitcast3A_238, %bitcast3A_242 : vector<32xbf16>
            %get3A_244 = arith.index_cast %add3A_234 : i32 to index
            %get3A_245 = arith.constant 16 : index
            %get3A_246 = tpu.vector_load %arg14[%get3A_244, %get3A_245] {strides = array<i32>} : memref<80x64xf32, #tpu.memory_space<vmem>>, vector<16xf32>,
            %bitcast3A_247 = vector.bitcast %get3A_246 : vector<16xf32> to vector<32xbf16>
            %get3A_248 = arith.index_cast %add3A_234 : i32 to index
            %get3A_249 = arith.constant 16 : index
            %get3A_250 = tpu.vector_load %arg15[%get3A_248, %get3A_249] {strides = array<i32>} : memref<80x64xf32, #tpu.memory_space<vmem>>, vector<16xf32>,
            %bitcast3A_251 = vector.bitcast %get3A_250 : vector<16xf32> to vector<32xbf16>
            %mul3A_252 = arith.mulf %bitcast3A_247, %bitcast3A_251 : vector<32xbf16>
            %add3A_253 = arith.addf %mul3A_243, %mul3A_252 : vector<32xbf16>
            %unpack3A_254 = tpu.unpack_subelements %add3A_253, 0 {pack_format = #tpu.pack_format<interleaved>} : vector<32xbf16> -> vector<16xf32>
            %unpack3A_255 = tpu.unpack_subelements %add3A_253, 1 {pack_format = #tpu.pack_format<interleaved>} : vector<32xbf16> -> vector<16xf32>
            %add3A_256 = arith.addf %unpack3A_254, %unpack3A_255 : vector<16xf32>
            %reduce_sum3A_257 = arith.constant true
            %reduce_sum3A_258 = vector.broadcast %reduce_sum3A_257 : i1 to vector<16xi1>
            %reduce_sum3A_259 = tpu.scan <sum>, %add3A_256 masked %reduce_sum3A_258 : vector<16xf32>, vector<16xi1> -> vector<16xf32>
            %reduce_sum3A_260 = vector.extract %reduce_sum3A_259[15] : f32 from vector<16xf32>
            %eq3A_261 = vector.broadcast %add3A_231 : i32 to vector<16xi32>
            %eq3A_262 = arith.cmpi eq, %iota3A, %eq3A_261 : vector<16xi32>
            %broadcast_in_dim3A_263 = vector.broadcast %reduce_sum3A_260 : f32 to vector<16xf32>
            %select_n3A_264 = arith.select %eq3A_262, %broadcast_in_dim3A_263, %select_n3A_225 : vector<16xi1>, vector<16xf32>
            scf.yield %select_n3A_264 : vector<16xf32>
          }
          %scan3A_108 = arith.constant 16 : i32
          %mul3A_109 = arith.constant 80 : i32
          %mul3A_110 = arith.muli %add3A_70, %mul3A_109 : i32
          %mul3A_111 = arith.constant 16 : i32
          %mul3A_112 = arith.muli %add3A_101, %mul3A_111 : i32
          %add3A_113 = arith.addi %mul3A_110, %mul3A_112 : i32
          %swap3A = arith.index_cast %add3A_113 : i32 to index
          %swap3A_114 = tpu.vector_load %arg16[%swap3A] {strides = array<i32>} : memref<10000xf32, #tpu.memory_space<vmem>>, vector<16xf32>,
          tpu.vector_store %arg16[%swap3A], %scan3A_107 {strides = array<i32>} : memref<10000xf32, #tpu.memory_space<vmem>>, vector<16xf32>,
        }
        %scan3A_89 = arith.constant 5 : i32
        %add3A_90 = arith.constant 4 : i32
        %add3A_91 = arith.addi %add3A_70, %add3A_90 : i32
        %lt3A_92 = arith.constant 125 : i32
        %lt3A_93 = arith.cmpi slt, %add3A_91, %lt3A_92 : i32
        %convert_element_type3A_94 = arith.extui %lt3A_93 : i1 to i32
        %cond3A_95 = arith.constant 0 : i32
        %cond3A_96 = arith.cmpi ne, %convert_element_type3A_94, %cond3A_95 : i32
        scf.if %cond3A_96 {
          %add3A_97 = arith.constant 4 : i32
          %add3A_98 = arith.addi %add3A_70, %add3A_97 : i32
          %mul3A_99 = arith.constant 80 : i32
          %mul3A_100 = arith.muli %add3A_98, %mul3A_99 : i32
          %dma_start3A_101 = tpu.memref_slice %arg6[%mul3A_100] : memref<10000xi32, #tpu.memory_space<vmem>> -> memref<80xi32, #tpu.memory_space<vmem>>
          %dma_start3A_102 = arith.constant 0 : i32
          %dma_start3A_103 = arith.constant 0 : i32
          %dma_start3A_104 = tpu.memref_slice %arg2[%dma_start3A_102, %dma_start3A_103] : memref<10000x64xf32, #tpu.memory_space<hbm>> -> memref<10000x64xf32, #tpu.memory_space<hbm>>
          tpu.enqueue_indirect_dma source(%dma_start3A_104 : memref<10000x64xf32, #tpu.memory_space<hbm>>) target(%arg14 : memref<80x64xf32, #tpu.memory_space<vmem>>) offsets(%dma_start3A_101 : memref<80xi32, #tpu.memory_space<vmem>>) semaphore(%arg20 : memref<!tpu.dma_semaphore, #tpu.memory_space<semaphore_mem>>)
          %dma_start3A_105 = tpu.memref_slice %arg7[%mul3A_100] : memref<10000xi32, #tpu.memory_space<vmem>> -> memref<80xi32, #tpu.memory_space<vmem>>
          %dma_start3A_106 = arith.constant 0 : i32
          %dma_start3A_107 = arith.constant 0 : i32
          %dma_start3A_108 = tpu.memref_slice %arg2[%dma_start3A_106, %dma_start3A_107] : memref<10000x64xf32, #tpu.memory_space<hbm>> -> memref<10000x64xf32, #tpu.memory_space<hbm>>
          tpu.enqueue_indirect_dma source(%dma_start3A_108 : memref<10000x64xf32, #tpu.memory_space<hbm>>) target(%arg15 : memref<80x64xf32, #tpu.memory_space<vmem>>) offsets(%dma_start3A_105 : memref<80xi32, #tpu.memory_space<vmem>>) semaphore(%arg20 : memref<!tpu.dma_semaphore, #tpu.memory_space<semaphore_mem>>)
        } else {
        }
      } else {
      }
    }
    %scan3A_45 = arith.constant 32 : i32
    "tpu.region"() ({
      %run_scoped3A = tpu.sem_alloc : memref<!tpu.dma_semaphore, #tpu.memory_space<semaphore_mem>>
      %dma_start3A_46 = tpu.memref_slice %arg5[%mul3A_2] : memref<320000xf32, #tpu.memory_space<hbm>> -> memref<10000xf32, #tpu.memory_space<hbm>>
      %dma_start3A_47 = tpu.memref_slice %arg5[%mul3A_2] : memref<320000xf32, #tpu.memory_space<hbm>> -> memref<10000xf32, #tpu.memory_space<hbm>>
      tpu.enqueue_dma source(%arg16 : memref<10000xf32, #tpu.memory_space<vmem>>) target(%dma_start3A_47 : memref<10000xf32, #tpu.memory_space<hbm>>) target_semaphore(%run_scoped3A : memref<!tpu.dma_semaphore, #tpu.memory_space<semaphore_mem>>)
      %dma_wait3A = tpu.memref_slice %arg5[%mul3A_2] : memref<320000xf32, #tpu.memory_space<hbm>> -> memref<10000xf32, #tpu.memory_space<hbm>>
      %dma_wait3A_48 = tpu.memref_slice %arg5[%mul3A_2] : memref<320000xf32, #tpu.memory_space<hbm>> -> memref<10000xf32, #tpu.memory_space<hbm>>
      tpu.wait_dma2 semaphore(%run_scoped3A : memref<!tpu.dma_semaphore, #tpu.memory_space<semaphore_mem>>) src(%arg16 : memref<10000xf32, #tpu.memory_space<vmem>>) dst(%dma_wait3A_48 : memref<10000xf32, #tpu.memory_space<hbm>>)
      tpu.yield
    }) : () -> ()
    return
  }
}

</mosaic_0001>

<sc_bundles>
// kernel: kernel.3.cloned.1.call-start
scs
__scs_entry_jumppad:
0x0: {  	(pc) =	sbr.rel $0x88, $3  }
0x1: {  	(tag) =	ssettag $0x0;
	lr =	simm.s32 $0x1  }
0x2: {  	[smem:$0x3F9F] =	sst lr;
	_ =	strace $0xD0000000  }
0x3: {  	_ = 	snop  }
0x4: {  	_ = 	snop  }
0x5: {  	_ = 	snop  }
0x6: {  	_ = 	snop  }
0x7: {  	_ = 	snop  }
__scs_overlays_trampoline_lowered:
0x8: {  	[smem:$0x3FAE] =	sst s0  }
0x9: {  	[smem:$0x3FAF] =	sst s1  }
0xa: {  	[smem:$0x3FB0] =	sst s2  }
0xb: {  	[smem:$0x3FB1] =	sst s3  }
0xc: {  	[smem:$0x3FB2] =	sst s4  }
0xd: {  	[smem:$0x3FB3] =	sst s5  }
0xe: {  	[smem:$0x3FB4] =	sst s6  }
0xf: {  	[smem:$0x3FB5] =	sst s7  }
0x10: {  	[smem:$0x3FB6] =	sst s8  }
0x11: {  	[smem:$0x3FB7] =	sst s9;
	s0 =	simm.s32 @!p0 $0x0  }
0x12: {  	s1 =	sld [smem:$0x3F9D];
	s0 =	simm.s32 @p0 $0x1  }
0x13: {  	[smem:$0x3FB8] =	sst s0;
	s0 =	simm.s32 @!p1 $0x0  }
0x14: {  	s2 =	sld [smem:$0x3F9C];
	s0 =	simm.s32 @p1 $0x1  }
0x15: {  	[smem:$0x3FB9] =	sst s0;
	s0 =	simm.s32 @!p2 $0x0  }
0x16: {  	s3 =	sld [smem:$0x3FDB];
	s0 =	simm.s32 @p2 $0x1  }
0x17: {  	s4 =	simm.s32 $0x1BF5;
	[smem:$0x3FBB] =	sst s0  }
0x18: {  	s0 =	sld [smem:$0x3F9E];
	_ =	swait.ge [sflag:s4], $0x0  }
0x19: {  	s7 =	sld [smem:$0x3F9F]  }
0x1a: {  	s8 =	sadd.s32 $0xFFFFE003, lr  }
0x1b: {  	s9 =	sadd.s32 $0xFFFFFEF7, lr;
	s5 =	simm.s32 $0xFFFFFFFF;
	p2 =	slt.u32 s8, $0xFFFFF086  }
0x1c: {  	p1 =	slt.u32 s9, $0xF7A;
	s5 =	simm.s32 @!p2 $0x0  }
0x1d: {  	s5 =	simm.s32 @p1 $0x1;
	p0 =	seq.s32 s7, s2  }
0x1e: {  	s7 =	smul.u32 @!p0 $0xF7A, s2;
	p2 =	seq.s32 @!p0 s5, $0x0  }
0x1f: {  	s9 =	smul.u32 $0xF7A, s1;
	s8 =	simm.s32 @!p0 $0x1BF5;
	p2 =	por !p2, p0  }
0x20: {  	[sflag:s8] =	ssyncset.s32 @!p0 $0xFFFFF086;
	s6 =	sadd.s32 @!p0 s3, s7;
	s7 =	simm.s32 @!p0 $0x108  }
0x21: {  	s3 =	sadd.s32 s3, s9;
	s6 =	sadd.s32 @!p0 $0x88, s6;
	s7 =	simm.s32 @p2 $0x1082  }
0x22: {  	[simem:s7], [sflag:s8] =	dma.local @!p0 [hbm:s6], $0xF7A  }
0x23: {  	s9 =	sor.u32 $0xD0000000, s2;
	s6 =	simm.s32 $0x108;
	_ =	swait.ge @!p0 [sflag:s8], $0x0  }
0x24: {  	s3 =	sadd.s32 $0x88, s3;
	s6 =	simm.s32 @!p1 $0x1082;
	[sflag:s4] =	ssyncset.s32 $0xFFFFF086  }
0x25: {  	[simem:s6], [sflag:s4] =	dma.local [hbm:s3], $0xF7A  }
0x26: {  	[smem:$0x3F9F] =	sst s1;
	(tag) =	ssettag s2;
	_ =	strace s9  }
0x27: {  	s1 =	sld [smem:$0x3FAF]  }
0x28: {  	s2 =	sld [smem:$0x3FB0]  }
0x29: {  	s4 =	sld [smem:$0x3FB2]  }
0x2a: {  	p0 =	seq.s32 s5, $0x0;
	s5 =	sld [smem:$0x3FB3]  }
0x2b: {  	s6 =	sld [smem:$0x3FB4]  }
0x2c: {  	s7 =	sld [smem:$0x3FB5]  }
0x2d: {  	s3 =	simm.s32 $0x108;
	s8 =	sld [smem:$0x3FB6]  }
0x2e: {  	s3 =	simm.s32 @!p0 $0x1082;
	s9 =	sld [smem:$0x3FB7]  }
0x2f: {  	lr =	sadd.s32 s0, s3;
	s0 =	sld [smem:$0x3FAE]  }
0x30: {  	s3 =	sld [smem:$0x3FB1]  }
0x31: {  	[smem:$0x3FBA] =	sst s10  }
0x32: {  	s10 =	sld [smem:$0x3FB8];
	_ =	sdelay $0x3  }
0x33: {  	p0 =	seq.s32 s10, $0x1;
	s10 =	sld [smem:$0x3FBA];
	_ =	sdelay $0x3  }
0x34: {  	[smem:$0x3FBA] =	sst s10  }
0x35: {  	s10 =	sld [smem:$0x3FB9];
	_ =	sdelay $0x3  }
0x36: {  	p1 =	seq.s32 s10, $0x1;
	s10 =	sld [smem:$0x3FBA];
	_ =	sdelay $0x3  }
0x37: {  	[smem:$0x3FBA] =	sst s10  }
0x38: {  	s10 =	sld [smem:$0x3FBB]  }
0x39: {  	_ = 	snop;
	(pc) =	sbr.ind lr, $3  }
0x3a: {  	_ = 	snop  }
0x3b: {  	_ = 	snop  }
0x3c: {  	p2 =	seq.s32 s10, $0x1;
	s10 =	sld [smem:$0x3FBA]  }
0x3d: {  	_ =	shalt  }
0x3e: {  	_ =	shalt  }
0x3f: {  	_ =	shalt  }
0x40: {  	_ =	shalt  }
0x41: {  	_ =	shalt  }
0x42: {  	_ =	shalt  }
0x43: {  	_ =	shalt  }
0x44: {  	_ =	shalt  }
0x45: {  	_ =	shalt  }
0x46: {  	_ =	shalt  }
0x47: {  	_ =	shalt  }
0x48: {  	_ =	shalt  }
0x49: {  	_ =	shalt  }
0x4a: {  	_ =	shalt  }
0x4b: {  	_ =	shalt  }
0x4c: {  	_ =	shalt  }
0x4d: {  	_ =	shalt  }
0x4e: {  	_ =	shalt  }
0x4f: {  	_ =	shalt  }
0x50: {  	_ =	shalt  }
0x51: {  	_ =	shalt  }
0x52: {  	_ =	shalt  }
0x53: {  	_ =	shalt  }
0x54: {  	_ =	shalt  }
0x55: {  	_ =	shalt  }
0x56: {  	_ =	shalt  }
0x57: {  	_ =	shalt  }
0x58: {  	_ =	shalt  }
0x59: {  	_ =	shalt  }
0x5a: {  	_ =	shalt  }
0x5b: {  	_ =	shalt  }
0x5c: {  	_ =	shalt  }
0x5d: {  	_ =	shalt  }
0x5e: {  	_ =	shalt  }
0x5f: {  	_ =	shalt  }
0x60: {  	_ =	shalt  }
0x61: {  	_ =	shalt  }
0x62: {  	_ =	shalt  }
0x63: {  	_ =	shalt  }
0x64: {  	_ =	shalt  }
0x65: {  	_ =	shalt  }
0x66: {  	_ =	shalt  }
0x67: {  	_ =	shalt  }
0x68: {  	_ =	shalt  }
0x69: {  	_ =	shalt  }
0x6a: {  	_ =	shalt  }
0x6b: {  	_ =	shalt  }
0x6c: {  	_ =	shalt  }
0x6d: {  	_ =	shalt  }
0x6e: {  	_ =	shalt  }
0x6f: {  	_ =	shalt  }
0x70: {  	_ =	shalt  }
0x71: {  	_ =	shalt  }
0x72: {  	_ =	shalt  }
0x73: {  	_ =	shalt  }
0x74: {  	_ =	shalt  }
0x75: {  	_ =	shalt  }
0x76: {  	_ =	shalt  }
0x77: {  	_ =	shalt  }
0x78: {  	_ =	shalt  }
0x79: {  	_ =	shalt  }
0x7a: {  	_ =	shalt  }
0x7b: {  	_ =	shalt  }
0x7c: {  	_ =	shalt  }
0x7d: {  	_ =	shalt  }
0x7e: {  	_ =	shalt  }
0x7f: {  	_ =	shalt  }
0x80: {  	_ =	shalt  }
0x81: {  	_ =	shalt  }
0x82: {  	_ =	shalt  }
0x83: {  	_ =	shalt  }
0x84: {  	_ =	shalt  }
0x85: {  	_ =	shalt  }
0x86: {  	_ =	shalt  }
0x87: {  	_ =	shalt  }
.Lfunc_end0:
.L_simem_size_0:
called_computation_lowered:
.L_overlay_start_0:
0x88: {  	s2 =	sld [smem:$0x3FD9]  }
0x89: {  	s3 =	sld [smem:$0x3FFE];
	_ =	sdelay $0x1  }
0x8a: {  	s1 =	srdreg.scid  }
0x8b: {  	s0 =	sand.u32 $0x1, s1  }
0x8c: {  	s17 =	sshll.u32 s0, $0xA;
	s2 =	sadd.s32 s3, s2  }
0x8d: {  	s2 =	sadd.s32 s2, s17  }
0x8e: {  	[smem:$0x3FC6] =	sst s2  }
0x8f: {  	_ = 	snop  }
0x90: {  	s2 =	sld [smem:$0x3FD0];
	(tm) =	ssettm $0x1  }
0x91: {  	s18 =	sld [smem:$0x3FFB];
	_ =	sdelay $0x3  }
0x92: {  	_ =	strace s18  }
0x93: {  	s3 =	sld [smem:$0x3FFC];
	_ =	sdelay $0x3  }
0x94: {  	_ =	strace s3  }
0x95: {  	s3 =	sld [smem:$0x3FFD];
	_ =	sdelay $0x3  }
0x96: {  	_ =	strace s3  }
0x97: {  	_ =	strace $0x8FFFFFFF  }
0x98: {  	s19 =	sld [smem:$0x3FDB];
	_ =	sdelay $0x1  }
0x99: {  	s4 =	simm.s32 $_scs_section_size  }
0x9a: {  	s5 =	simm.s32 $_size__tile_overlayer_lowered;
	s6 =	simm.s32 $_tile_overlayer_lowered  }
0x9b: {  	s22 =	simm.s32 $0x1BFF;
	s21 =	sshll.u32 s6, $0x1;
	s3 =	sadd.s32 s4, s19  }
0x9c: {  	s7 =	simm.s32 $0x0;
	s20 =	sshll.u32 s5, $0x1;
	s5 =	sadd.s32 s21, s3  }
0x9d: {  	[timem:s7], [sflag:s22] =	dma.local [hbm:s5], s20  }
0x9e: {  	_ =	swait.ge [sflag:s22], s20  }
0x9f: {  	s4 =	ssub.s32 $0x0, s20;
	[sflag:s22] =	ssyncset.done $0x0  }
0xa0: {  	[sflag:s22] =	ssyncadd.s32 s4;
	_ =	sdelay $0x1  }
0xa1: {  	s23 =	simm.s32 $0x1B8B  }
0xa2: {  	_ =	swait.ge [sflag:s23], $0x1  }
0xa3: {  	[sflag:s23] =	ssyncset.done $0x0  }
0xa4: {  	s25 =	simm.s32 $0x1B8E;
	s24 =	sld [smem:$0x3FFE];
	[sflag:s23] =	ssyncadd.s32 $0xFFFFFFFF  }
0xa5: {  	s26 =	simm.s32 $execute0_lowered;
	[smem:$0x3FD2] =	sst s25  }
0xa6: {  	s5 =	sshll.u32 s26, $0x1;
	_ =	strace $0x80000046;
	[dreg:$0x1] =	wrdreg $0xFFFFFFFF  }
0xa7: {  	s28 =	simm.s32 $_size_execute0_lowered;
	s3 =	sadd.s32 s3, s5;
	[dreg:$0x0] =	wrdreg $0x0  }
0xa8: {  	s5 =	sshll.u32 s28, $0x1;
	[dreg:$0x2] =	wrdreg s3  }
0xa9: {  	[dreg:$0x3] =	wrdreg s5  }
0xaa: {  	[dreg:$0x4] =	wrdreg $0xC0  }
0xab: {  	_ =	task [dreg:s7], $0x5FFFF  }
0xac: {  	[dreg:$0x1] =	wrdreg $0xFFFFFFFF  }
0xad: {  	[dreg:$0x0] =	wrdreg $0x60  }
0xae: {  	[dreg:$0x2] =	wrdreg s24  }
0xaf: {  	[dreg:$0x3] =	wrdreg s2  }
0xb0: {  	[dreg:$0x4] =	wrdreg $0x9  }
0xb1: {  	_ =	task.clear_ibuf [dreg:s7], $0x5FFFF;
	_ =	strace $0x90000046  }
0xb2: {  	s29 =	simm.s32 $0x9;
	_ =	strace $0x80000048  }
0xb3: {  	_ =	swait.ge [sflag:s29], $0x1  }
0xb4: {  	[sflag:s29] =	ssyncadd.s32 $0xFFFFFFFF  }
0xb5: {  	_ =	strace $0x90000048  }
0xb6: {  	_ =	sfence  }
0xb7: {  	s30 =	sld [smem:$0x0];
	_ =	sdelay $0x2  }
0xb8: {  	s31 =	sshll.u32 s1, $0xD;
	s1 =	sshrl.u32 s1, $0x2  }
0xb9: {  	s3 =	sand.u32 $0x4000, s31;
	s1 =	sadd.s32 s1, s30  }
0xba: {  	s0 =	sor.u32 s3, s0;
	s1 =	sshll.u32 s1, $0x11  }
0xbb: {  	s0 =	sor.u32 s1, s0  }
0xbc: {  	s0 =	sadd.s32 $0x8F2B, s0  }
0xbd: {  	[sflag:s0] =	ssyncadd.remote.s32 $0x1  }
0xbe: {  	_ =	sfence.sel $0xFFFF  }
0xbf: {  	[dreg:$0x0] =	wrdreg $0xFFFFFFFF;
	(pc) =	sbr.abs _section_cstart, $3  }
0xc0: {  	[dreg:$0x1] =	wrdreg $0xFFFFFFFF  }
0xc1: {  	_ =	task.clear_ibuf [dreg:s7], $0x2FFFF;
	_ =	strace $0x9FFFFFFF  }
0xc2: {  	(tm) =	ssettm $0x7FFFFFFF  }
0xc3: {  	_ =	shalt  }
tec
execute0_lowered:
.L_overlay_start_1:
0x0: {  	(tag) =	ssettag $0x1  }
0x1: {  	s0 =	srdreg.scid;
	s2 =	rddreg [dreg:$0x0]  }
0x2: {  	s1 =	stileid.u32;
	s6 =	rddreg [dreg:$0x1]  }
0x3: {  	s3 =	simm.s32 $0x0;
	s8 =	simm.s32 $0x5;
	s9 =	simm.s32 $0x2710  }
0x4: {  	s10 =	simm.s32 $0x50;
	s11 =	simm.s32 $0x4E20;
	s12 =	simm.s32 $0x6220  }
0x5: {  	s24 =	simm.s32 $0x1;
	s25 =	simm.s32 $0xEE20;
	s26 =	simm.s32 $0x2  }
0x6: {  	s28 =	simm.s32 $0x3;
	s0 =	sand.u32 $0x1, s0;
	s1 =	sshll.u32 s1, $0x1  }
.Ltmp0:
0x7: {  	s29 =	simm.s32 $0x4;
	s1 =	sor.u32 s0, s1;
	(pc) =	sbr.rel .LBB2_1-.Ltmp0, $4  }
0x8: {  	[smem:$0x7FF] =	sst s3;
	s0 =	ssub.s32 $0x2, s0;
	s1 =	smul.u32 $0x4E2, s1  }
0x9: {  	s30 =	simm.s32 $0x0;
	_ =	strace $0x80000047;
	s4 =	sshrl.u32 s0, $0x1  }
0xa: {  	s0 =	ssub.s32 s0, s4;
	s5 =	sadd.s32 s1, s2;
	s6 =	sadd.s32 s6, s1  }
0xb: {  	v0 =	vlaneseq.u32;
	s7 =	smax.u32 s0, $0x1;
	s4 =	sadd.s32 $0x1D800, s5;
	s5 =	sadd.s32 $0x13A00, s5  }
.LBB2_26:
0xc: {  	s30 =	sadd.s32 $0x1, s30  }
0xd: {  	p0 =	sne.s32 s30, s7  }
.Ltmp1:
0xe: {  	_ = 	snop;
	(pc) =	sbr.rel @!p0 .LBB2_27-.Ltmp1, $4  }
0xf: {  	[hbm4b:s6+s3] =	stream.linear.scatter [tilespmem:s25], [sflag:$0x5], $0x2710, $0x38;
	[tilespmem:$0x11530] =	vst v63  }
0x10: {  	_ =	swait.ge [sflag:s8], $0x2710  }
0x11: {  	[sflag:s8] =	ssyncset.done $0x0  }
0x12: {  	[sflag:s8] =	ssyncadd.s32 $0xFFFFD8F0  }
.LBB2_1:
0x13: {  	[tilespmem:s3], [sflag:$0x5] =	stream.linear.gather [hbm4b:s4+s3], $0x2710, $0x38;
	[tilespmem:$0x11530] =	vst v63  }
0x14: {  	_ =	swait.ge [sflag:s8], $0x2710  }
0x15: {  	[sflag:s8] =	ssyncset.done $0x0  }
0x16: {  	[sflag:s8] =	ssyncadd.s32 $0xFFFFD8F0  }
0x17: {  	[tilespmem:s9], [sflag:$0x5] =	stream.linear.gather [hbm4b:s5+s3], $0x2710, $0x38;
	[tilespmem:$0x11530] =	vst v63  }
0x18: {  	_ =	swait.ge [sflag:s8], $0x2710  }
0x19: {  	[sflag:s8] =	ssyncset.done $0x0  }
0x1a: {  	[sflag:s8] =	ssyncadd.s32 $0xFFFFD8F0  }
0x1b: {  	[tilespmem:s11], [sflag:$0x1] =	stream.indirect.gather [hbm4b:s2+s10], $0x40, s3, s10, $0xb8;
	[tilespmem:$0x11530] =	vst v63  }
0x1c: {  	_ = 	snop  }
0x1d: {  	[tilespmem:s12], [sflag:$0x1] =	stream.indirect.gather [hbm4b:s2+s10], $0x40, s9, s10, $0xb8;
	[tilespmem:$0x11530] =	vst v63  }
0x1e: {  	s0 =	simm.s32 $0x7620  }
0x1f: {  	[tilespmem:s0], [sflag:$0x2] =	stream.indirect.gather [hbm4b:s2+s10], $0x40, s10, s10, $0xb8;
	[tilespmem:$0x11530] =	vst v63  }
0x20: {  	s15 =	simm.s32 $0x2760;
	s1 =	simm.s32 $0x8A20  }
0x21: {  	[tilespmem:s1], [sflag:$0x2] =	stream.indirect.gather [hbm4b:s2+s10], $0x40, s15, s10, $0xb8;
	[tilespmem:$0x11530] =	vst v63  }
0x22: {  	s16 =	simm.s32 $0xA0;
	s17 =	simm.s32 $0x9E20  }
0x23: {  	[tilespmem:s17], [sflag:$0x3] =	stream.indirect.gather [hbm4b:s2+s10], $0x40, s16, s10, $0xb8;
	[tilespmem:$0x11530] =	vst v63  }
0x24: {  	s18 =	simm.s32 $0x27B0;
	s19 =	simm.s32 $0xB220  }
0x25: {  	[tilespmem:s19], [sflag:$0x3] =	stream.indirect.gather [hbm4b:s2+s10], $0x40, s18, s10, $0xb8;
	[tilespmem:$0x11530] =	vst v63  }
.Ltmp2:
0x26: {  	_ = 	snop;
	(pc) =	sbr.rel .LBB2_2-.Ltmp2, $4  }
0x27: {  	s20 =	simm.s32 $0xF0;
	s21 =	simm.s32 $0xC620  }
0x28: {  	[tilespmem:s21], [sflag:$0x4] =	stream.indirect.gather [hbm4b:s2+s10], $0x40, s20, s10, $0xb8;
	[tilespmem:$0x11530] =	vst v63  }
0x29: {  	s22 =	simm.s32 $0x2800;
	s23 =	simm.s32 $0xDA20;
	s31 =	simm.s32 $0x0  }
0x2a: {  	[tilespmem:s23], [sflag:$0x4] =	stream.indirect.gather [hbm4b:s2+s10], $0x40, s22, s10, $0xb8;
	[tilespmem:$0x11530] =	vst v63  }
.LBB2_25:
0x2b: {  	s31 =	sadd.s32 $0x1, s31  }
0x2c: {  	p0 =	sne.s32 s31, $0x20  }
.Ltmp3:
0x2d: {  	_ = 	snop;
	(pc) =	sbr.rel @!p0 .LBB2_26-.Ltmp3, $1  }
0x2e: {  	_ =	sdelay $0x3  }
.LBB2_2:
0x2f: {  	_ =	swait.ge [sflag:s24], $0x1400  }
0x30: {  	s0 =	smul.u32 $0x500, s31;
	[sflag:s24] =	ssyncset.done $0x0  }
0x31: {  	[sflag:s24] =	ssyncadd.s32 $0xFFFFEC00  }
0x32: {  	s1 =	simm.s32 $0x62A0;
	s0 =	sshra.s32 s0, $0x2;
	_ =	swait.ge [sflag:s24], $0x1400  }
0x33: {  	s13 =	simm.s32 $0x4EA0;
	s14 =	sadd.s32 $0xEE20, s0;
	[sflag:s24] =	ssyncset.done $0x0  }
0x34: {  	s0 =	simm.s32 $0x0;
	v1 =	vmov s14;
	s14 =	simm.s32 $0x0;
	[sflag:s24] =	ssyncadd.s32 $0xFFFFEC00  }
.LBB2_3:
0x35: {  	v5 =	vld [tilespmem:s13+$0x40]  }
0x36: {  	v6 =	vld [tilespmem:s1+$0x40]  }
0x37: {  	v7 =	vld [tilespmem:s13+$0x50]  }
0x38: {  	v2 =	vld [tilespmem:s13+$0x0]  }
0x39: {  	v3 =	vld [tilespmem:s1+$0x0]  }
0x3a: {  	v4 =	vld [tilespmem:s13+$0x10]  }
0x3b: {  	v8 =	vld [tilespmem:s1+$0x10]  }
0x3c: {  	v9 =	vld [tilespmem:s13+$0xFFFFFFC0]  }
0x3d: {  	v10 =	vld [tilespmem:s1+$0xFFFFFFC0]  }
0x3e: {  	v11 =	vld [tilespmem:s13+$0xFFFFFFD0]  }
0x3f: {  	v12 =	vld [tilespmem:s1+$0xFFFFFFD0]  }
0x40: {  	v13 =	vld [tilespmem:s13+$0xFFFFFF80]  }
0x41: {  	v14 =	vld [tilespmem:s1+$0xFFFFFF80]  }
0x42: {  	v15 =	vld [tilespmem:s13+$0xFFFFFF90]  }
0x43: {  	v16 =	vld [tilespmem:s1+$0xFFFFFF90];
	v3 =	vmul.bf16 v3, v2;
	v4 =	vmul.bf16 v8, v4  }
0x44: {  	v17 =	vld [tilespmem:s1+$0x50];
	s17 =	sadd.s32 $0x100, s13  }
0x45: {  	v19 =	vld [tilespmem:s17+$0x0];
	v8 =	vadd.bf16 v4, v3  }
0x46: {  	s16 =	sadd.s32 $0x100, s1;
	v20 =	vld [tilespmem:s17+$0x10];
	v9 =	vmul.bf16 v10, v9;
	v10 =	vmul.bf16 v12, v11  }
0x47: {  	v21 =	vld [tilespmem:s16+$0x10];
	v11 =	vmul.bf16 v14, v13;
	v18 =	vunpack.i.u.bf16.f32 v8;
	v8 =	vunpack.i.l.bf16.f32 v8  }
0x48: {  	v2 =	vld [tilespmem:s17+$0x40];
	v12 =	vmul.bf16 v16, v15;
	v13 =	vadd.bf16 v10, v9;
	v8 =	vadd.f32 v8, v18  }
0x49: {  	v5 =	vmul.bf16 v6, v5;
	v6 =	vmul.bf16 v17, v7;
	v14 =	vld [tilespmem:s16+$0xFFFFFF80]  }
0x4a: {  	v16 =	vld [tilespmem:s16+$0xFFFFFF90];
	v7 =	vadd.bf16 v12, v11;
	v12 =	vunpack.i.u.bf16.f32 v13;
	v13 =	vunpack.i.l.bf16.f32 v13;
	(xrf2) =	vadd.scan.msk.f32 $0xffff, v8  }
0x4b: {  	v15 =	vld [tilespmem:s16+$0x50];
	v5 =	vadd.bf16 v6, v5;
	v6 =	vadd.f32 v13, v12  }
0x4c: {  	v3 =	vld [tilespmem:s16+$0x40]  }
0x4d: {  	v9 =	vld [tilespmem:s16+$0xFFFFFFC0];
	v13 =	vunpack.i.u.bf16.f32 v7;
	v7 =	vunpack.i.l.bf16.f32 v7;
	(xrf2) =	vadd.scan.msk.f32 $0xffff, v6  }
0x4e: {  	v18 =	vld [tilespmem:s16+$0x0];
	v7 =	vadd.f32 v7, v13  }
0x4f: {  	v10 =	vld [tilespmem:s17+$0xFFFFFFD0]  }
0x50: {  	v11 =	vld [tilespmem:s16+$0xFFFFFFD0];
	v13 =	vunpack.i.u.bf16.f32 v5;
	v5 =	vunpack.i.l.bf16.f32 v5;
	(xrf2) =	vadd.scan.msk.f32 $0xffff, v7  }
0x51: {  	v8 =	vld [tilespmem:s17+$0xFFFFFFC0];
	v6 =	vadd.f32 v5, v13  }
0x52: {  	v12 =	vld [tilespmem:s17+$0xFFFFFF80]  }
0x53: {  	s15 =	simm.s32 $0x4;
	s21 =	simm.s32 $0x3;
	s19 =	simm.s32 $0x8;
	v13 =	vld [tilespmem:s17+$0xFFFFFF90];
	v18 =	vmul.bf16 v18, v19;
	v19 =	vmul.bf16 v21, v20;
	(xrf2) =	vadd.scan.msk.f32 $0xffff, v6  }
0x54: {  	s20 =	simm.s32 $0x2;
	s18 =	sadd.s32 $0x100, s17;
	v17 =	vmov s0;
	v4 =	vld [tilespmem:s17+$0x50];
	v5 =	vimm.f32 $0.0e+00;
	s17 =	simm.s32 $0x0;
	v6 =	vmov s21;
	v7, _, _ =	vpop (xrf2)  }
.LBB2_4:
0x55: {  	v20 =	vld [tilespmem:s18+$0x40];
	p0 =	slt.u32 s19, $0xC;
	v18 =	vadd.bf16 v19, v18;
	s16 =	sadd.s32 $0x100, s16;
	vm0 =	veq.s32 v17, v0;
	s17 =	sadd.s32 $0x1, s17;
	v17 =	vmov s20  }
0x56: {  	v8 =	vmul.bf16 v9, v8;
	v9 =	vmul.bf16 v11, v10;
	v19 =	vld [tilespmem:s16+$0x40];
	v10 =	vmov s17;
	s17 =	smov.u32 s15;
	s15 =	smov.u32 s19  }
0x57: {  	v12 =	vmul.bf16 v14, v12;
	v11 =	vld [tilespmem:s18+$0x50];
	v14 =	vunpack.i.u.bf16.f32 v18;
	v18 =	vunpack.i.l.bf16.f32 v18;
	v21, _, _ =	vpop (xrf2)  }
0x58: {  	v22 =	vld [tilespmem:s18+$0x0];
	v13 =	vmul.bf16 v16, v13;
	v16 =	vadd.bf16 v9, v8;
	v9 =	vadd.f32 v18, v14  }
0x59: {  	vm1 =	veq.s32 v17, v0;
	v14 =	vmul.bf16 v3, v2;
	v18 =	vld [tilespmem:s16+$0x0];
	v25 =	vmul.bf16 v15, v4  }
0x5a: {  	v15 =	vld [tilespmem:s18+$0x10];
	v26 =	vadd.bf16 v13, v12;
	v23 =	vunpack.i.u.bf16.f32 v16;
	v24 =	vunpack.i.l.bf16.f32 v16;
	(xrf2) =	vadd.scan.msk.f32 $0xffff, v9;
	v8, _, _ =	vpop (xrf2)  }
0x5b: {  	vm2 =	veq.s32 v10, v0;
	v2 =	vmovc v20;
	v17 =	vld [tilespmem:s16+$0x10];
	v13 =	vadd.f32 v24, v23;
	v16 =	vbroadcast v8, $0xF;
	v3 =	vmovc v19  }
0x5c: {  	v20 =	vbroadcast v21, $0xF;
	v14 =	vadd.bf16 v25, v14;
	v8 =	vld [tilespmem:s18+$0xFFFFFFC0];
	v19 =	vunpack.i.u.bf16.f32 v26;
	v4 =	vmovc v11  }
0x5d: {  	v7 =	vbroadcast v7, $0xF;
	v11 =	vunpack.i.l.bf16.f32 v26;
	v9 =	vld [tilespmem:s16+$0xFFFFFFC0];
	(xrf2) =	vadd.scan.msk.f32 $0xffff, v13;
	v5 =	vsel vm0, v16, v5;
	v12, _, _ =	vpop (xrf2)  }
0x5e: {  	v13 =	vadd.f32 v11, v19;
	v10 =	vld [tilespmem:s18+$0xFFFFFFD0];
	v5 =	vsel vm2, v20, v5;
	v16 =	vbroadcast v12, $0xF  }
0x5f: {  	vm0 =	veq.s32 v6, v0;
	v11 =	vld [tilespmem:s16+$0xFFFFFFD0];
	v5 =	vsel vm1, v7, v5  }
.Ltmp4:
0x60: {  	v6 =	vunpack.i.u.bf16.f32 v14;
	v7 =	vunpack.i.l.bf16.f32 v14;
	v12 =	vld [tilespmem:s18+$0xFFFFFF80];
	(xrf2) =	vadd.scan.msk.f32 $0xffff, v13;
	v5 =	vsel vm0, v16, v5;
	(pc) =	sbr.rel @p0 .LBB2_4-.Ltmp4, $4  }
0x61: {  	v6 =	vadd.f32 v7, v6;
	v14 =	vld [tilespmem:s16+$0xFFFFFF80]  }
0x62: {  	v13 =	vld [tilespmem:s18+$0xFFFFFF90]  }
0x63: {  	s21 =	sadd.s32 $0x3, s17;
	v18 =	vmul.bf16 v18, v22;
	v19 =	vmul.bf16 v17, v15;
	v16 =	vld [tilespmem:s16+$0xFFFFFF90];
	(xrf2) =	vadd.scan.msk.f32 $0xffff, v6  }
0x64: {  	s19 =	sadd.s32 $0x4, s19;
	s20 =	sadd.s32 $0x2, s17;
	v17 =	vmov s17;
	s18 =	sadd.s32 $0x100, s18;
	v6 =	vmov s21;
	v15 =	vld [tilespmem:s16+$0x50];
	v7, _, _ =	vpop (xrf2)  }
0x65: {  	_ = 	snop  }
0x66: {  	v8 =	vmul.bf16 v9, v8;
	v45 =	vmul.bf16 v11, v10  }
0x67: {  	v18 =	vadd.bf16 v19, v18;
	v2 =	vmul.bf16 v3, v2  }
0x68: {  	v46 =	vmul.bf16 v14, v12;
	v8 =	vadd.bf16 v45, v8;
	v47 =	vmul.bf16 v16, v13  }
0x69: {  	v48 =	vunpack.i.u.bf16.f32 v18;
	v49 =	vunpack.i.l.bf16.f32 v18;
	v4 =	vmul.bf16 v15, v4  }
0x6a: {  	v51 =	vunpack.i.u.bf16.f32 v8;
	v8 =	vunpack.i.l.bf16.f32 v8;
	v3 =	vadd.bf16 v47, v46  }
0x6b: {  	v50 =	vadd.f32 v49, v48;
	v8 =	vadd.f32 v8, v51  }
0x6c: {  	v2 =	vadd.bf16 v4, v2;
	v52 =	vunpack.i.u.bf16.f32 v3;
	v3 =	vunpack.i.l.bf16.f32 v3  }
0x6d: {  	(xrf2) =	vadd.scan.msk.f32 $0xffff, v50;
	v3 =	vadd.f32 v3, v52  }
0x6e: {  	(xrf2) =	vadd.scan.msk.f32 $0xffff, v8;
	v4 =	vunpack.i.u.bf16.f32 v2;
	v2 =	vunpack.i.l.bf16.f32 v2  }
0x6f: {  	v2 =	vadd.f32 v2, v4;
	(xrf2) =	vadd.scan.msk.f32 $0xffff, v3;
	_ =	sdelay $0x2  }
0x70: {  	v3, _, _ =	vpop (xrf2);
	(xrf2) =	vadd.scan.msk.f32 $0xffff, v2  }
0x71: {  	v2, _, _ =	vpop (xrf2)  }
0x72: {  	vm0 =	veq.s32 v17, v0;
	s16 =	sadd.s32 $0x1, s17;
	v2 =	vbroadcast v2, $0xF  }
0x73: {  	v53 =	vmov s20;
	v54 =	vmov s16;
	v3 =	vbroadcast v3, $0xF  }
0x74: {  	v56 =	vbroadcast v7, $0xF;
	vm1 =	veq.s32 v54, v0;
	v55, _, _ =	vpop (xrf2);
	v2 =	vsel vm0, v2, v5  }
0x75: {  	vm10 =	veq.s32 v53, v0;
	v57, _, _ =	vpop (xrf2);
	v2 =	vsel vm1, v3, v2;
	v3 =	vbroadcast v55, $0xF  }
0x76: {  	vm11 =	veq.s32 v6, v0;
	v58, _, _ =	vpop (xrf2);
	v2 =	vsel vm10, v56, v2  }
0x77: {  	s20 =	sadd.s32 $0x3, s15;
	s21 =	sadd.s32 $0x2, s15;
	v2 =	vsel vm11, v3, v2;
	v3 =	vmov s15;
	v59, _, _ =	vpop (xrf2)  }
0x78: {  	s22 =	sadd.s32 $0x1, s15;
	s23 =	sshll.u32 s14, $0x4;
	s14 =	sadd.s32 $0x1, s14;
	v60 =	vmov s20;
	vm12 =	veq.s32 v3, v0;
	v3 =	vbroadcast v59, $0xF  }
0x79: {  	v61 =	vmov s21;
	v62 =	vmov s22;
	p0 =	sne.s32 s14, $0x5;
	v5 =	vbroadcast v58, $0xF  }
.Ltmp5:
0x7a: {  	vm13 =	veq.s32 v62, v0;
	v63, _, _ =	vpop (xrf2);
	v2 =	vsel vm12, v3, v2;
	v3 =	vbroadcast v57, $0xF;
	(pc) =	sbr.rel @p0 .LBB2_3-.Ltmp5, $4  }
0x7b: {  	vm14 =	veq.s32 v61, v0;
	v4 =	vbroadcast v63, $0xF;
	v2 =	vsel vm13, v5, v2  }
0x7c: {  	vm15 =	veq.s32 v60, v0;
	v2 =	vsel vm14, v3, v2  }
0x7d: {  	s15 =	sand.u32 $0x3FFFFFF0, s23;
	v2 =	vsel vm15, v4, v2  }
0x7e: {  	s1 =	sadd.s32 $0x400, s1;
	s13 =	sadd.s32 $0x400, s13;
	[tilespmem:v1+s15+$0x0 ss:$0x1] =	vst.idx.msk $0xffff, v2  }
0x7f: {  	p0 =	seq.s32 s31, $0x1F  }
.Ltmp6:
0x80: {  	_ = 	snop;
	(pc) =	sbr.rel @p0 .LBB2_26-.Ltmp6, $1  }
0x81: {  	_ =	sdelay $0x3  }
0x82: {  	s1 =	smul.u32 $0x140, s31;
	_ =	sdelay $0x1  }
0x83: {  	s0 =	sadd.s32 $0x140, s1  }
0x84: {  	[tilespmem:s11], [sflag:$0x1] =	stream.indirect.gather [hbm4b:s2+s10], $0x40, s0, s10, $0xb8;
	[tilespmem:$0x11530] =	vst v63  }
0x85: {  	s13 =	sadd.s32 $0x2850, s1;
	s0 =	sshll.u32 s31, $0x2  }
0x86: {  	[tilespmem:s12], [sflag:$0x1] =	stream.indirect.gather [hbm4b:s2+s10], $0x40, s13, s10, $0xb8;
	[tilespmem:$0x11530] =	vst v63  }
0x87: {  	s13 =	sor.u32 $0x1, s0  }
0x88: {  	p0 =	sgt.u32 s13, $0x7C  }
.Ltmp7:
0x89: {  	_ = 	snop;
	(pc) =	sbr.rel @p0 .LBB2_13-.Ltmp7, $1  }
0x8a: {  	_ =	sdelay $0x3  }
0x8b: {  	_ =	swait.ge [sflag:s26], $0x1400  }
0x8c: {  	s13 =	smul.u32 $0x140, s13;
	[sflag:s26] =	ssyncset.done $0x0  }
0x8d: {  	[sflag:s26] =	ssyncadd.s32 $0xFFFFEC00  }
0x8e: {  	s14 =	simm.s32 $0x8AA0;
	s13 =	sshra.s32 s13, $0x2;
	_ =	swait.ge [sflag:s26], $0x1400  }
0x8f: {  	s15 =	simm.s32 $0x76A0;
	s16 =	sadd.s32 $0xEE20, s13;
	[sflag:s26] =	ssyncset.done $0x0  }
0x90: {  	s13 =	simm.s32 $0x0;
	v1 =	vmov s16;
	s16 =	simm.s32 $0x0;
	[sflag:s26] =	ssyncadd.s32 $0xFFFFEC00  }
.LBB2_9:
0x91: {  	v5 =	vld [tilespmem:s15+$0x40]  }
0x92: {  	v6 =	vld [tilespmem:s14+$0x40]  }
0x93: {  	v7 =	vld [tilespmem:s15+$0x50]  }
0x94: {  	v2 =	vld [tilespmem:s15+$0x0]  }
0x95: {  	v3 =	vld [tilespmem:s14+$0x0]  }
0x96: {  	v4 =	vld [tilespmem:s15+$0x10]  }
0x97: {  	v8 =	vld [tilespmem:s14+$0x10]  }
0x98: {  	v9 =	vld [tilespmem:s15+$0xFFFFFFC0]  }
0x99: {  	v10 =	vld [tilespmem:s14+$0xFFFFFFC0]  }
0x9a: {  	v11 =	vld [tilespmem:s15+$0xFFFFFFD0]  }
0x9b: {  	v12 =	vld [tilespmem:s14+$0xFFFFFFD0]  }
0x9c: {  	v13 =	vld [tilespmem:s15+$0xFFFFFF80]  }
0x9d: {  	v14 =	vld [tilespmem:s14+$0xFFFFFF80]  }
0x9e: {  	v15 =	vld [tilespmem:s15+$0xFFFFFF90]  }
0x9f: {  	v16 =	vld [tilespmem:s14+$0xFFFFFF90];
	v3 =	vmul.bf16 v3, v2;
	v4 =	vmul.bf16 v8, v4  }
0xa0: {  	v17 =	vld [tilespmem:s14+$0x50];
	s19 =	sadd.s32 $0x100, s15  }
0xa1: {  	v19 =	vld [tilespmem:s19+$0x0];
	v8 =	vadd.bf16 v4, v3  }
0xa2: {  	s18 =	sadd.s32 $0x100, s14;
	v20 =	vld [tilespmem:s19+$0x10];
	v9 =	vmul.bf16 v10, v9;
	v10 =	vmul.bf16 v12, v11  }
0xa3: {  	v21 =	vld [tilespmem:s18+$0x10];
	v11 =	vmul.bf16 v14, v13;
	v18 =	vunpack.i.u.bf16.f32 v8;
	v8 =	vunpack.i.l.bf16.f32 v8  }
0xa4: {  	v2 =	vld [tilespmem:s19+$0x40];
	v12 =	vmul.bf16 v16, v15;
	v13 =	vadd.bf16 v10, v9;
	v8 =	vadd.f32 v8, v18  }
0xa5: {  	v5 =	vmul.bf16 v6, v5;
	v6 =	vmul.bf16 v17, v7;
	v14 =	vld [tilespmem:s18+$0xFFFFFF80]  }
0xa6: {  	v16 =	vld [tilespmem:s18+$0xFFFFFF90];
	v7 =	vadd.bf16 v12, v11;
	v12 =	vunpack.i.u.bf16.f32 v13;
	v13 =	vunpack.i.l.bf16.f32 v13;
	(xrf2) =	vadd.scan.msk.f32 $0xffff, v8  }
0xa7: {  	v15 =	vld [tilespmem:s18+$0x50];
	v5 =	vadd.bf16 v6, v5;
	v6 =	vadd.f32 v13, v12  }
0xa8: {  	v3 =	vld [tilespmem:s18+$0x40]  }
0xa9: {  	v9 =	vld [tilespmem:s18+$0xFFFFFFC0];
	v13 =	vunpack.i.u.bf16.f32 v7;
	v7 =	vunpack.i.l.bf16.f32 v7;
	(xrf2) =	vadd.scan.msk.f32 $0xffff, v6  }
0xaa: {  	v18 =	vld [tilespmem:s18+$0x0];
	v7 =	vadd.f32 v7, v13  }
0xab: {  	v10 =	vld [tilespmem:s19+$0xFFFFFFD0]  }
0xac: {  	v11 =	vld [tilespmem:s18+$0xFFFFFFD0];
	v13 =	vunpack.i.u.bf16.f32 v5;
	v5 =	vunpack.i.l.bf16.f32 v5;
	(xrf2) =	vadd.scan.msk.f32 $0xffff, v7  }
0xad: {  	v8 =	vld [tilespmem:s19+$0xFFFFFFC0];
	v6 =	vadd.f32 v5, v13  }
0xae: {  	v12 =	vld [tilespmem:s19+$0xFFFFFF80]  }
0xaf: {  	s17 =	simm.s32 $0x4;
	s23 =	simm.s32 $0x3;
	s21 =	simm.s32 $0x8;
	v13 =	vld [tilespmem:s19+$0xFFFFFF90];
	v18 =	vmul.bf16 v18, v19;
	v19 =	vmul.bf16 v21, v20;
	(xrf2) =	vadd.scan.msk.f32 $0xffff, v6  }
0xb0: {  	s22 =	simm.s32 $0x2;
	s20 =	sadd.s32 $0x100, s19;
	v17 =	vmov s13;
	v4 =	vld [tilespmem:s19+$0x50];
	v5 =	vimm.f32 $0.0e+00;
	s19 =	simm.s32 $0x0;
	v6 =	vmov s23;
	v7, _, _ =	vpop (xrf2)  }
.LBB2_10:
0xb1: {  	v20 =	vld [tilespmem:s20+$0x40];
	p0 =	slt.u32 s21, $0xC;
	v18 =	vadd.bf16 v19, v18;
	s18 =	sadd.s32 $0x100, s18;
	vm0 =	veq.s32 v17, v0;
	s19 =	sadd.s32 $0x1, s19;
	v17 =	vmov s22  }
0xb2: {  	v8 =	vmul.bf16 v9, v8;
	v9 =	vmul.bf16 v11, v10;
	v19 =	vld [tilespmem:s18+$0x40];
	v10 =	vmov s19;
	s19 =	smov.u32 s17;
	s17 =	smov.u32 s21  }
0xb3: {  	v12 =	vmul.bf16 v14, v12;
	v11 =	vld [tilespmem:s20+$0x50];
	v14 =	vunpack.i.u.bf16.f32 v18;
	v18 =	vunpack.i.l.bf16.f32 v18;
	v21, _, _ =	vpop (xrf2)  }
0xb4: {  	v22 =	vld [tilespmem:s20+$0x0];
	v13 =	vmul.bf16 v16, v13;
	v16 =	vadd.bf16 v9, v8;
	v9 =	vadd.f32 v18, v14  }
0xb5: {  	vm1 =	veq.s32 v17, v0;
	v14 =	vmul.bf16 v3, v2;
	v18 =	vld [tilespmem:s18+$0x0];
	v25 =	vmul.bf16 v15, v4  }
0xb6: {  	v15 =	vld [tilespmem:s20+$0x10];
	v26 =	vadd.bf16 v13, v12;
	v23 =	vunpack.i.u.bf16.f32 v16;
	v24 =	vunpack.i.l.bf16.f32 v16;
	(xrf2) =	vadd.scan.msk.f32 $0xffff, v9;
	v8, _, _ =	vpop (xrf2)  }
0xb7: {  	vm2 =	veq.s32 v10, v0;
	v2 =	vmovc v20;
	v17 =	vld [tilespmem:s18+$0x10];
	v13 =	vadd.f32 v24, v23;
	v16 =	vbroadcast v8, $0xF;
	v3 =	vmovc v19  }
0xb8: {  	v20 =	vbroadcast v21, $0xF;
	v14 =	vadd.bf16 v25, v14;
	v8 =	vld [tilespmem:s20+$0xFFFFFFC0];
	v19 =	vunpack.i.u.bf16.f32 v26;
	v4 =	vmovc v11  }
0xb9: {  	v7 =	vbroadcast v7, $0xF;
	v11 =	vunpack.i.l.bf16.f32 v26;
	v9 =	vld [tilespmem:s18+$0xFFFFFFC0];
	(xrf2) =	vadd.scan.msk.f32 $0xffff, v13;
	v5 =	vsel vm0, v16, v5;
	v12, _, _ =	vpop (xrf2)  }
0xba: {  	v13 =	vadd.f32 v11, v19;
	v10 =	vld [tilespmem:s20+$0xFFFFFFD0];
	v5 =	vsel vm2, v20, v5;
	v16 =	vbroadcast v12, $0xF  }
0xbb: {  	vm0 =	veq.s32 v6, v0;
	v11 =	vld [tilespmem:s18+$0xFFFFFFD0];
	v5 =	vsel vm1, v7, v5  }
.Ltmp8:
0xbc: {  	v6 =	vunpack.i.u.bf16.f32 v14;
	v7 =	vunpack.i.l.bf16.f32 v14;
	v12 =	vld [tilespmem:s20+$0xFFFFFF80];
	(xrf2) =	vadd.scan.msk.f32 $0xffff, v13;
	v5 =	vsel vm0, v16, v5;
	(pc) =	sbr.rel @p0 .LBB2_10-.Ltmp8, $4  }
0xbd: {  	v6 =	vadd.f32 v7, v6;
	v14 =	vld [tilespmem:s18+$0xFFFFFF80]  }
0xbe: {  	v13 =	vld [tilespmem:s20+$0xFFFFFF90]  }
0xbf: {  	s23 =	sadd.s32 $0x3, s19;
	v18 =	vmul.bf16 v18, v22;
	v19 =	vmul.bf16 v17, v15;
	v16 =	vld [tilespmem:s18+$0xFFFFFF90];
	(xrf2) =	vadd.scan.msk.f32 $0xffff, v6  }
0xc0: {  	s21 =	sadd.s32 $0x4, s21;
	s22 =	sadd.s32 $0x2, s19;
	v17 =	vmov s19;
	s20 =	sadd.s32 $0x100, s20;
	v6 =	vmov s23;
	v15 =	vld [tilespmem:s18+$0x50];
	v7, _, _ =	vpop (xrf2)  }
0xc1: {  	_ = 	snop  }
0xc2: {  	v8 =	vmul.bf16 v9, v8;
	v45 =	vmul.bf16 v11, v10  }
0xc3: {  	v18 =	vadd.bf16 v19, v18;
	v2 =	vmul.bf16 v3, v2  }
0xc4: {  	v46 =	vmul.bf16 v14, v12;
	v8 =	vadd.bf16 v45, v8;
	v47 =	vmul.bf16 v16, v13  }
0xc5: {  	v48 =	vunpack.i.u.bf16.f32 v18;
	v49 =	vunpack.i.l.bf16.f32 v18;
	v4 =	vmul.bf16 v15, v4  }
0xc6: {  	v51 =	vunpack.i.u.bf16.f32 v8;
	v8 =	vunpack.i.l.bf16.f32 v8;
	v3 =	vadd.bf16 v47, v46  }
0xc7: {  	v50 =	vadd.f32 v49, v48;
	v8 =	vadd.f32 v8, v51  }
0xc8: {  	v2 =	vadd.bf16 v4, v2;
	v52 =	vunpack.i.u.bf16.f32 v3;
	v3 =	vunpack.i.l.bf16.f32 v3  }
0xc9: {  	(xrf2) =	vadd.scan.msk.f32 $0xffff, v50;
	v3 =	vadd.f32 v3, v52  }
0xca: {  	(xrf2) =	vadd.scan.msk.f32 $0xffff, v8;
	v4 =	vunpack.i.u.bf16.f32 v2;
	v2 =	vunpack.i.l.bf16.f32 v2  }
0xcb: {  	v2 =	vadd.f32 v2, v4;
	(xrf2) =	vadd.scan.msk.f32 $0xffff, v3;
	_ =	sdelay $0x2  }
0xcc: {  	v3, _, _ =	vpop (xrf2);
	(xrf2) =	vadd.scan.msk.f32 $0xffff, v2  }
0xcd: {  	v2, _, _ =	vpop (xrf2)  }
0xce: {  	vm0 =	veq.s32 v17, v0;
	s18 =	sadd.s32 $0x1, s19;
	v2 =	vbroadcast v2, $0xF  }
0xcf: {  	v53 =	vmov s22;
	v54 =	vmov s18;
	v3 =	vbroadcast v3, $0xF  }
0xd0: {  	v56 =	vbroadcast v7, $0xF;
	vm1 =	veq.s32 v54, v0;
	v55, _, _ =	vpop (xrf2);
	v2 =	vsel vm0, v2, v5  }
0xd1: {  	vm10 =	veq.s32 v53, v0;
	v57, _, _ =	vpop (xrf2);
	v2 =	vsel vm1, v3, v2;
	v3 =	vbroadcast v55, $0xF  }
0xd2: {  	vm11 =	veq.s32 v6, v0;
	v58, _, _ =	vpop (xrf2);
	v2 =	vsel vm10, v56, v2  }
0xd3: {  	s20 =	sadd.s32 $0x3, s17;
	s21 =	sadd.s32 $0x2, s17;
	v2 =	vsel vm11, v3, v2;
	v3 =	vmov s17;
	v59, _, _ =	vpop (xrf2)  }
0xd4: {  	s22 =	sadd.s32 $0x1, s17;
	s23 =	sshll.u32 s16, $0x4;
	s16 =	sadd.s32 $0x1, s16;
	v60 =	vmov s20;
	vm12 =	veq.s32 v3, v0;
	v3 =	vbroadcast v59, $0xF  }
0xd5: {  	v61 =	vmov s21;
	v62 =	vmov s22;
	p0 =	sne.s32 s16, $0x5;
	v5 =	vbroadcast v58, $0xF  }
.Ltmp9:
0xd6: {  	vm13 =	veq.s32 v62, v0;
	v63, _, _ =	vpop (xrf2);
	v2 =	vsel vm12, v3, v2;
	v3 =	vbroadcast v57, $0xF;
	(pc) =	sbr.rel @p0 .LBB2_9-.Ltmp9, $4  }
0xd7: {  	vm14 =	veq.s32 v61, v0;
	v4 =	vbroadcast v63, $0xF;
	v2 =	vsel vm13, v5, v2  }
0xd8: {  	vm15 =	veq.s32 v60, v0;
	v2 =	vsel vm14, v3, v2  }
0xd9: {  	s17 =	sand.u32 $0x3FFFFFF0, s23;
	v2 =	vsel vm15, v4, v2  }
0xda: {  	s14 =	sadd.s32 $0x400, s14;
	s15 =	sadd.s32 $0x400, s15;
	[tilespmem:v1+s17+$0x0 ss:$0x1] =	vst.idx.msk $0xffff, v2  }
0xdb: {  	p0 =	sgt.u32 s31, $0x1D  }
0xdc: {  	s13 =	sadd.s32 @!p0 $0x190, s1;
	s14 =	simm.s32 @!p0 $0x50;
	s15 =	simm.s32 @!p0 $0x7620  }
0xdd: {  	[tilespmem:s15], [sflag:$0x2] =	stream.indirect.gather @!p0 [hbm4b:s2+s14], $0x40, s13, s14, $0xb8;
	[tilespmem:$0x11530] =	vst v63  }
0xde: {  	s13 =	sadd.s32 @!p0 $0x28A0, s1;
	s15 =	simm.s32 @!p0 $0x8A20  }
0xdf: {  	[tilespmem:s15], [sflag:$0x2] =	stream.indirect.gather @!p0 [hbm4b:s2+s14], $0x40, s13, s14, $0xb8;
	[tilespmem:$0x11530] =	vst v63  }
.LBB2_13:
0xe0: {  	s13 =	sor.u32 $0x2, s0  }
0xe1: {  	p0 =	sgt.u32 s13, $0x7C  }
.Ltmp10:
0xe2: {  	_ = 	snop;
	(pc) =	sbr.rel @p0 .LBB2_19-.Ltmp10, $1  }
0xe3: {  	_ =	sdelay $0x3  }
0xe4: {  	_ =	swait.ge [sflag:s28], $0x1400  }
0xe5: {  	s13 =	smul.u32 $0x140, s13;
	[sflag:s28] =	ssyncset.done $0x0  }
0xe6: {  	[sflag:s28] =	ssyncadd.s32 $0xFFFFEC00  }
0xe7: {  	s14 =	simm.s32 $0xB2A0;
	s13 =	sshra.s32 s13, $0x2;
	_ =	swait.ge [sflag:s28], $0x1400  }
0xe8: {  	s15 =	simm.s32 $0x9EA0;
	s16 =	sadd.s32 $0xEE20, s13;
	[sflag:s28] =	ssyncset.done $0x0  }
0xe9: {  	s13 =	simm.s32 $0x0;
	v1 =	vmov s16;
	s16 =	simm.s32 $0x0;
	[sflag:s28] =	ssyncadd.s32 $0xFFFFEC00  }
.LBB2_15:
0xea: {  	v5 =	vld [tilespmem:s15+$0x40]  }
0xeb: {  	v6 =	vld [tilespmem:s14+$0x40]  }
0xec: {  	v7 =	vld [tilespmem:s15+$0x50]  }
0xed: {  	v2 =	vld [tilespmem:s15+$0x0]  }
0xee: {  	v3 =	vld [tilespmem:s14+$0x0]  }
0xef: {  	v4 =	vld [tilespmem:s15+$0x10]  }
0xf0: {  	v8 =	vld [tilespmem:s14+$0x10]  }
0xf1: {  	v9 =	vld [tilespmem:s15+$0xFFFFFFC0]  }
0xf2: {  	v10 =	vld [tilespmem:s14+$0xFFFFFFC0]  }
0xf3: {  	v11 =	vld [tilespmem:s15+$0xFFFFFFD0]  }
0xf4: {  	v12 =	vld [tilespmem:s14+$0xFFFFFFD0]  }
0xf5: {  	v13 =	vld [tilespmem:s15+$0xFFFFFF80]  }
0xf6: {  	v14 =	vld [tilespmem:s14+$0xFFFFFF80]  }
0xf7: {  	v15 =	vld [tilespmem:s15+$0xFFFFFF90]  }
0xf8: {  	v16 =	vld [tilespmem:s14+$0xFFFFFF90];
	v3 =	vmul.bf16 v3, v2;
	v4 =	vmul.bf16 v8, v4  }
0xf9: {  	v17 =	vld [tilespmem:s14+$0x50];
	s19 =	sadd.s32 $0x100, s15  }
0xfa: {  	v19 =	vld [tilespmem:s19+$0x0];
	v8 =	vadd.bf16 v4, v3  }
0xfb: {  	s18 =	sadd.s32 $0x100, s14;
	v20 =	vld [tilespmem:s19+$0x10];
	v9 =	vmul.bf16 v10, v9;
	v10 =	vmul.bf16 v12, v11  }
0xfc: {  	v21 =	vld [tilespmem:s18+$0x10];
	v11 =	vmul.bf16 v14, v13;
	v18 =	vunpack.i.u.bf16.f32 v8;
	v8 =	vunpack.i.l.bf16.f32 v8  }
0xfd: {  	v2 =	vld [tilespmem:s19+$0x40];
	v12 =	vmul.bf16 v16, v15;
	v13 =	vadd.bf16 v10, v9;
	v8 =	vadd.f32 v8, v18  }
0xfe: {  	v5 =	vmul.bf16 v6, v5;
	v6 =	vmul.bf16 v17, v7;
	v14 =	vld [tilespmem:s18+$0xFFFFFF80]  }
0xff: {  	v16 =	vld [tilespmem:s18+$0xFFFFFF90];
	v7 =	vadd.bf16 v12, v11;
	v12 =	vunpack.i.u.bf16.f32 v13;
	v13 =	vunpack.i.l.bf16.f32 v13;
	(xrf2) =	vadd.scan.msk.f32 $0xffff, v8  }
0x100: {  	v15 =	vld [tilespmem:s18+$0x50];
	v5 =	vadd.bf16 v6, v5;
	v6 =	vadd.f32 v13, v12  }
0x101: {  	v3 =	vld [tilespmem:s18+$0x40]  }
0x102: {  	v9 =	vld [tilespmem:s18+$0xFFFFFFC0];
	v13 =	vunpack.i.u.bf16.f32 v7;
	v7 =	vunpack.i.l.bf16.f32 v7;
	(xrf2) =	vadd.scan.msk.f32 $0xffff, v6  }
0x103: {  	v18 =	vld [tilespmem:s18+$0x0];
	v7 =	vadd.f32 v7, v13  }
0x104: {  	v10 =	vld [tilespmem:s19+$0xFFFFFFD0]  }
0x105: {  	v11 =	vld [tilespmem:s18+$0xFFFFFFD0];
	v13 =	vunpack.i.u.bf16.f32 v5;
	v5 =	vunpack.i.l.bf16.f32 v5;
	(xrf2) =	vadd.scan.msk.f32 $0xffff, v7  }
0x106: {  	v8 =	vld [tilespmem:s19+$0xFFFFFFC0];
	v6 =	vadd.f32 v5, v13  }
0x107: {  	v12 =	vld [tilespmem:s19+$0xFFFFFF80]  }
0x108: {  	s17 =	simm.s32 $0x4;
	s23 =	simm.s32 $0x3;
	s21 =	simm.s32 $0x8;
	v13 =	vld [tilespmem:s19+$0xFFFFFF90];
	v18 =	vmul.bf16 v18, v19;
	v19 =	vmul.bf16 v21, v20;
	(xrf2) =	vadd.scan.msk.f32 $0xffff, v6  }
0x109: {  	s22 =	simm.s32 $0x2;
	s20 =	sadd.s32 $0x100, s19;
	v17 =	vmov s13;
	v4 =	vld [tilespmem:s19+$0x50];
	v5 =	vimm.f32 $0.0e+00;
	s19 =	simm.s32 $0x0;
	v6 =	vmov s23;
	v7, _, _ =	vpop (xrf2)  }
.LBB2_16:
0x10a: {  	v20 =	vld [tilespmem:s20+$0x40];
	p0 =	slt.u32 s21, $0xC;
	v18 =	vadd.bf16 v19, v18;
	s18 =	sadd.s32 $0x100, s18;
	vm0 =	veq.s32 v17, v0;
	s19 =	sadd.s32 $0x1, s19;
	v17 =	vmov s22  }
0x10b: {  	v8 =	vmul.bf16 v9, v8;
	v9 =	vmul.bf16 v11, v10;
	v19 =	vld [tilespmem:s18+$0x40];
	v10 =	vmov s19;
	s19 =	smov.u32 s17;
	s17 =	smov.u32 s21  }
0x10c: {  	v12 =	vmul.bf16 v14, v12;
	v11 =	vld [tilespmem:s20+$0x50];
	v14 =	vunpack.i.u.bf16.f32 v18;
	v18 =	vunpack.i.l.bf16.f32 v18;
	v21, _, _ =	vpop (xrf2)  }
0x10d: {  	v22 =	vld [tilespmem:s20+$0x0];
	v13 =	vmul.bf16 v16, v13;
	v16 =	vadd.bf16 v9, v8;
	v9 =	vadd.f32 v18, v14  }
0x10e: {  	vm1 =	veq.s32 v17, v0;
	v14 =	vmul.bf16 v3, v2;
	v18 =	vld [tilespmem:s18+$0x0];
	v25 =	vmul.bf16 v15, v4  }
0x10f: {  	v15 =	vld [tilespmem:s20+$0x10];
	v26 =	vadd.bf16 v13, v12;
	v23 =	vunpack.i.u.bf16.f32 v16;
	v24 =	vunpack.i.l.bf16.f32 v16;
	(xrf2) =	vadd.scan.msk.f32 $0xffff, v9;
	v8, _, _ =	vpop (xrf2)  }
0x110: {  	vm2 =	veq.s32 v10, v0;
	v2 =	vmovc v20;
	v17 =	vld [tilespmem:s18+$0x10];
	v13 =	vadd.f32 v24, v23;
	v16 =	vbroadcast v8, $0xF;
	v3 =	vmovc v19  }
0x111: {  	v20 =	vbroadcast v21, $0xF;
	v14 =	vadd.bf16 v25, v14;
	v8 =	vld [tilespmem:s20+$0xFFFFFFC0];
	v19 =	vunpack.i.u.bf16.f32 v26;
	v4 =	vmovc v11  }
0x112: {  	v7 =	vbroadcast v7, $0xF;
	v11 =	vunpack.i.l.bf16.f32 v26;
	v9 =	vld [tilespmem:s18+$0xFFFFFFC0];
	(xrf2) =	vadd.scan.msk.f32 $0xffff, v13;
	v5 =	vsel vm0, v16, v5;
	v12, _, _ =	vpop (xrf2)  }
0x113: {  	v13 =	vadd.f32 v11, v19;
	v10 =	vld [tilespmem:s20+$0xFFFFFFD0];
	v5 =	vsel vm2, v20, v5;
	v16 =	vbroadcast v12, $0xF  }
0x114: {  	vm0 =	veq.s32 v6, v0;
	v11 =	vld [tilespmem:s18+$0xFFFFFFD0];
	v5 =	vsel vm1, v7, v5  }
.Ltmp11:
0x115: {  	v6 =	vunpack.i.u.bf16.f32 v14;
	v7 =	vunpack.i.l.bf16.f32 v14;
	v12 =	vld [tilespmem:s20+$0xFFFFFF80];
	(xrf2) =	vadd.scan.msk.f32 $0xffff, v13;
	v5 =	vsel vm0, v16, v5;
	(pc) =	sbr.rel @p0 .LBB2_16-.Ltmp11, $4  }
0x116: {  	v6 =	vadd.f32 v7, v6;
	v14 =	vld [tilespmem:s18+$0xFFFFFF80]  }
0x117: {  	v13 =	vld [tilespmem:s20+$0xFFFFFF90]  }
0x118: {  	s23 =	sadd.s32 $0x3, s19;
	v18 =	vmul.bf16 v18, v22;
	v19 =	vmul.bf16 v17, v15;
	v16 =	vld [tilespmem:s18+$0xFFFFFF90];
	(xrf2) =	vadd.scan.msk.f32 $0xffff, v6  }
0x119: {  	s21 =	sadd.s32 $0x4, s21;
	s22 =	sadd.s32 $0x2, s19;
	v17 =	vmov s19;
	s20 =	sadd.s32 $0x100, s20;
	v6 =	vmov s23;
	v15 =	vld [tilespmem:s18+$0x50];
	v7, _, _ =	vpop (xrf2)  }
0x11a: {  	_ = 	snop  }
0x11b: {  	v8 =	vmul.bf16 v9, v8;
	v45 =	vmul.bf16 v11, v10  }
0x11c: {  	v18 =	vadd.bf16 v19, v18;
	v2 =	vmul.bf16 v3, v2  }
0x11d: {  	v46 =	vmul.bf16 v14, v12;
	v8 =	vadd.bf16 v45, v8;
	v47 =	vmul.bf16 v16, v13  }
0x11e: {  	v48 =	vunpack.i.u.bf16.f32 v18;
	v49 =	vunpack.i.l.bf16.f32 v18;
	v4 =	vmul.bf16 v15, v4  }
0x11f: {  	v51 =	vunpack.i.u.bf16.f32 v8;
	v8 =	vunpack.i.l.bf16.f32 v8;
	v3 =	vadd.bf16 v47, v46  }
0x120: {  	v50 =	vadd.f32 v49, v48;
	v8 =	vadd.f32 v8, v51  }
0x121: {  	v2 =	vadd.bf16 v4, v2;
	v52 =	vunpack.i.u.bf16.f32 v3;
	v3 =	vunpack.i.l.bf16.f32 v3  }
0x122: {  	(xrf2) =	vadd.scan.msk.f32 $0xffff, v50;
	v3 =	vadd.f32 v3, v52  }
0x123: {  	(xrf2) =	vadd.scan.msk.f32 $0xffff, v8;
	v4 =	vunpack.i.u.bf16.f32 v2;
	v2 =	vunpack.i.l.bf16.f32 v2  }
0x124: {  	v2 =	vadd.f32 v2, v4;
	(xrf2) =	vadd.scan.msk.f32 $0xffff, v3;
	_ =	sdelay $0x2  }
0x125: {  	v3, _, _ =	vpop (xrf2);
	(xrf2) =	vadd.scan.msk.f32 $0xffff, v2  }
0x126: {  	v2, _, _ =	vpop (xrf2)  }
0x127: {  	vm0 =	veq.s32 v17, v0;
	s18 =	sadd.s32 $0x1, s19;
	v2 =	vbroadcast v2, $0xF  }
0x128: {  	v53 =	vmov s22;
	v54 =	vmov s18;
	v3 =	vbroadcast v3, $0xF  }
0x129: {  	v56 =	vbroadcast v7, $0xF;
	vm1 =	veq.s32 v54, v0;
	v55, _, _ =	vpop (xrf2);
	v2 =	vsel vm0, v2, v5  }
0x12a: {  	vm10 =	veq.s32 v53, v0;
	v57, _, _ =	vpop (xrf2);
	v2 =	vsel vm1, v3, v2;
	v3 =	vbroadcast v55, $0xF  }
0x12b: {  	vm11 =	veq.s32 v6, v0;
	v58, _, _ =	vpop (xrf2);
	v2 =	vsel vm10, v56, v2  }
0x12c: {  	s20 =	sadd.s32 $0x3, s17;
	s21 =	sadd.s32 $0x2, s17;
	v2 =	vsel vm11, v3, v2;
	v3 =	vmov s17;
	v59, _, _ =	vpop (xrf2)  }
0x12d: {  	s22 =	sadd.s32 $0x1, s17;
	s23 =	sshll.u32 s16, $0x4;
	s16 =	sadd.s32 $0x1, s16;
	v60 =	vmov s20;
	vm12 =	veq.s32 v3, v0;
	v3 =	vbroadcast v59, $0xF  }
0x12e: {  	v61 =	vmov s21;
	v62 =	vmov s22;
	p0 =	sne.s32 s16, $0x5;
	v5 =	vbroadcast v58, $0xF  }
.Ltmp12:
0x12f: {  	vm13 =	veq.s32 v62, v0;
	v63, _, _ =	vpop (xrf2);
	v2 =	vsel vm12, v3, v2;
	v3 =	vbroadcast v57, $0xF;
	(pc) =	sbr.rel @p0 .LBB2_15-.Ltmp12, $4  }
0x130: {  	vm14 =	veq.s32 v61, v0;
	v4 =	vbroadcast v63, $0xF;
	v2 =	vsel vm13, v5, v2  }
0x131: {  	vm15 =	veq.s32 v60, v0;
	v2 =	vsel vm14, v3, v2  }
0x132: {  	s17 =	sand.u32 $0x3FFFFFF0, s23;
	v2 =	vsel vm15, v4, v2  }
0x133: {  	s14 =	sadd.s32 $0x400, s14;
	s15 =	sadd.s32 $0x400, s15;
	[tilespmem:v1+s17+$0x0 ss:$0x1] =	vst.idx.msk $0xffff, v2  }
0x134: {  	p0 =	sgt.u32 s31, $0x1D  }
0x135: {  	s13 =	sadd.s32 @!p0 $0x1E0, s1;
	s14 =	simm.s32 @!p0 $0x50;
	s15 =	simm.s32 @!p0 $0x9E20  }
0x136: {  	[tilespmem:s15], [sflag:$0x3] =	stream.indirect.gather @!p0 [hbm4b:s2+s14], $0x40, s13, s14, $0xb8;
	[tilespmem:$0x11530] =	vst v63  }
0x137: {  	s13 =	sadd.s32 @!p0 $0x28F0, s1;
	s15 =	simm.s32 @!p0 $0xB220  }
0x138: {  	[tilespmem:s15], [sflag:$0x3] =	stream.indirect.gather @!p0 [hbm4b:s2+s14], $0x40, s13, s14, $0xb8;
	[tilespmem:$0x11530] =	vst v63  }
.LBB2_19:
0x139: {  	s0 =	sor.u32 $0x3, s0  }
0x13a: {  	p0 =	sgt.u32 s0, $0x7C  }
.Ltmp13:
0x13b: {  	_ = 	snop;
	(pc) =	sbr.rel @p0 .LBB2_25-.Ltmp13, $1  }
0x13c: {  	_ =	sdelay $0x3  }
0x13d: {  	_ =	swait.ge [sflag:s29], $0x1400  }
0x13e: {  	s0 =	smul.u32 $0x140, s0;
	[sflag:s29] =	ssyncset.done $0x0  }
0x13f: {  	[sflag:s29] =	ssyncadd.s32 $0xFFFFEC00  }
0x140: {  	s13 =	simm.s32 $0xDAA0;
	s0 =	sshra.s32 s0, $0x2;
	_ =	swait.ge [sflag:s29], $0x1400  }
0x141: {  	s14 =	simm.s32 $0xC6A0;
	s15 =	sadd.s32 $0xEE20, s0;
	[sflag:s29] =	ssyncset.done $0x0  }
0x142: {  	s0 =	simm.s32 $0x0;
	v1 =	vmov s15;
	s15 =	simm.s32 $0x0;
	[sflag:s29] =	ssyncadd.s32 $0xFFFFEC00  }
.LBB2_21:
0x143: {  	v5 =	vld [tilespmem:s14+$0x40]  }
0x144: {  	v6 =	vld [tilespmem:s13+$0x40]  }
0x145: {  	v7 =	vld [tilespmem:s14+$0x50]  }
0x146: {  	v2 =	vld [tilespmem:s14+$0x0]  }
0x147: {  	v3 =	vld [tilespmem:s13+$0x0]  }
0x148: {  	v4 =	vld [tilespmem:s14+$0x10]  }
0x149: {  	v8 =	vld [tilespmem:s13+$0x10]  }
0x14a: {  	v9 =	vld [tilespmem:s14+$0xFFFFFFC0]  }
0x14b: {  	v10 =	vld [tilespmem:s13+$0xFFFFFFC0]  }
0x14c: {  	v11 =	vld [tilespmem:s14+$0xFFFFFFD0]  }
0x14d: {  	v12 =	vld [tilespmem:s13+$0xFFFFFFD0]  }
0x14e: {  	v13 =	vld [tilespmem:s14+$0xFFFFFF80]  }
0x14f: {  	v14 =	vld [tilespmem:s13+$0xFFFFFF80]  }
0x150: {  	v15 =	vld [tilespmem:s14+$0xFFFFFF90]  }
0x151: {  	v16 =	vld [tilespmem:s13+$0xFFFFFF90];
	v3 =	vmul.bf16 v3, v2;
	v4 =	vmul.bf16 v8, v4  }
0x152: {  	v17 =	vld [tilespmem:s13+$0x50];
	s18 =	sadd.s32 $0x100, s14  }
0x153: {  	v19 =	vld [tilespmem:s18+$0x0];
	v8 =	vadd.bf16 v4, v3  }
0x154: {  	s17 =	sadd.s32 $0x100, s13;
	v20 =	vld [tilespmem:s18+$0x10];
	v9 =	vmul.bf16 v10, v9;
	v10 =	vmul.bf16 v12, v11  }
0x155: {  	v21 =	vld [tilespmem:s17+$0x10];
	v11 =	vmul.bf16 v14, v13;
	v18 =	vunpack.i.u.bf16.f32 v8;
	v8 =	vunpack.i.l.bf16.f32 v8  }
0x156: {  	v2 =	vld [tilespmem:s18+$0x40];
	v12 =	vmul.bf16 v16, v15;
	v13 =	vadd.bf16 v10, v9;
	v8 =	vadd.f32 v8, v18  }
0x157: {  	v5 =	vmul.bf16 v6, v5;
	v6 =	vmul.bf16 v17, v7;
	v14 =	vld [tilespmem:s17+$0xFFFFFF80]  }
0x158: {  	v16 =	vld [tilespmem:s17+$0xFFFFFF90];
	v7 =	vadd.bf16 v12, v11;
	v12 =	vunpack.i.u.bf16.f32 v13;
	v13 =	vunpack.i.l.bf16.f32 v13;
	(xrf2) =	vadd.scan.msk.f32 $0xffff, v8  }
0x159: {  	v15 =	vld [tilespmem:s17+$0x50];
	v5 =	vadd.bf16 v6, v5;
	v6 =	vadd.f32 v13, v12  }
0x15a: {  	v3 =	vld [tilespmem:s17+$0x40]  }
0x15b: {  	v9 =	vld [tilespmem:s17+$0xFFFFFFC0];
	v13 =	vunpack.i.u.bf16.f32 v7;
	v7 =	vunpack.i.l.bf16.f32 v7;
	(xrf2) =	vadd.scan.msk.f32 $0xffff, v6  }
0x15c: {  	v18 =	vld [tilespmem:s17+$0x0];
	v7 =	vadd.f32 v7, v13  }
0x15d: {  	v10 =	vld [tilespmem:s18+$0xFFFFFFD0]  }
0x15e: {  	v11 =	vld [tilespmem:s17+$0xFFFFFFD0];
	v13 =	vunpack.i.u.bf16.f32 v5;
	v5 =	vunpack.i.l.bf16.f32 v5;
	(xrf2) =	vadd.scan.msk.f32 $0xffff, v7  }
0x15f: {  	v8 =	vld [tilespmem:s18+$0xFFFFFFC0];
	v6 =	vadd.f32 v5, v13  }
0x160: {  	v12 =	vld [tilespmem:s18+$0xFFFFFF80]  }
0x161: {  	s16 =	simm.s32 $0x4;
	s22 =	simm.s32 $0x3;
	s20 =	simm.s32 $0x8;
	v13 =	vld [tilespmem:s18+$0xFFFFFF90];
	v18 =	vmul.bf16 v18, v19;
	v19 =	vmul.bf16 v21, v20;
	(xrf2) =	vadd.scan.msk.f32 $0xffff, v6  }
0x162: {  	s21 =	simm.s32 $0x2;
	s19 =	sadd.s32 $0x100, s18;
	v17 =	vmov s0;
	v4 =	vld [tilespmem:s18+$0x50];
	v5 =	vimm.f32 $0.0e+00;
	s18 =	simm.s32 $0x0;
	v6 =	vmov s22;
	v7, _, _ =	vpop (xrf2)  }
.LBB2_22:
0x163: {  	v20 =	vld [tilespmem:s19+$0x40];
	p0 =	slt.u32 s20, $0xC;
	v18 =	vadd.bf16 v19, v18;
	s17 =	sadd.s32 $0x100, s17;
	vm0 =	veq.s32 v17, v0;
	s18 =	sadd.s32 $0x1, s18;
	v17 =	vmov s21  }
0x164: {  	v8 =	vmul.bf16 v9, v8;
	v9 =	vmul.bf16 v11, v10;
	v19 =	vld [tilespmem:s17+$0x40];
	v10 =	vmov s18;
	s18 =	smov.u32 s16;
	s16 =	smov.u32 s20  }
0x165: {  	v12 =	vmul.bf16 v14, v12;
	v11 =	vld [tilespmem:s19+$0x50];
	v14 =	vunpack.i.u.bf16.f32 v18;
	v18 =	vunpack.i.l.bf16.f32 v18;
	v21, _, _ =	vpop (xrf2)  }
0x166: {  	v22 =	vld [tilespmem:s19+$0x0];
	v13 =	vmul.bf16 v16, v13;
	v16 =	vadd.bf16 v9, v8;
	v9 =	vadd.f32 v18, v14  }
0x167: {  	vm1 =	veq.s32 v17, v0;
	v14 =	vmul.bf16 v3, v2;
	v18 =	vld [tilespmem:s17+$0x0];
	v25 =	vmul.bf16 v15, v4  }
0x168: {  	v15 =	vld [tilespmem:s19+$0x10];
	v26 =	vadd.bf16 v13, v12;
	v23 =	vunpack.i.u.bf16.f32 v16;
	v24 =	vunpack.i.l.bf16.f32 v16;
	(xrf2) =	vadd.scan.msk.f32 $0xffff, v9;
	v8, _, _ =	vpop (xrf2)  }
0x169: {  	vm2 =	veq.s32 v10, v0;
	v2 =	vmovc v20;
	v17 =	vld [tilespmem:s17+$0x10];
	v13 =	vadd.f32 v24, v23;
	v16 =	vbroadcast v8, $0xF;
	v3 =	vmovc v19  }
0x16a: {  	v20 =	vbroadcast v21, $0xF;
	v14 =	vadd.bf16 v25, v14;
	v8 =	vld [tilespmem:s19+$0xFFFFFFC0];
	v19 =	vunpack.i.u.bf16.f32 v26;
	v4 =	vmovc v11  }
0x16b: {  	v7 =	vbroadcast v7, $0xF;
	v11 =	vunpack.i.l.bf16.f32 v26;
	v9 =	vld [tilespmem:s17+$0xFFFFFFC0];
	(xrf2) =	vadd.scan.msk.f32 $0xffff, v13;
	v5 =	vsel vm0, v16, v5;
	v12, _, _ =	vpop (xrf2)  }
0x16c: {  	v13 =	vadd.f32 v11, v19;
	v10 =	vld [tilespmem:s19+$0xFFFFFFD0];
	v5 =	vsel vm2, v20, v5;
	v16 =	vbroadcast v12, $0xF  }
0x16d: {  	vm0 =	veq.s32 v6, v0;
	v11 =	vld [tilespmem:s17+$0xFFFFFFD0];
	v5 =	vsel vm1, v7, v5  }
.Ltmp14:
0x16e: {  	v6 =	vunpack.i.u.bf16.f32 v14;
	v7 =	vunpack.i.l.bf16.f32 v14;
	v12 =	vld [tilespmem:s19+$0xFFFFFF80];
	(xrf2) =	vadd.scan.msk.f32 $0xffff, v13;
	v5 =	vsel vm0, v16, v5;
	(pc) =	sbr.rel @p0 .LBB2_22-.Ltmp14, $4  }
0x16f: {  	v6 =	vadd.f32 v7, v6;
	v14 =	vld [tilespmem:s17+$0xFFFFFF80]  }
0x170: {  	v13 =	vld [tilespmem:s19+$0xFFFFFF90]  }
0x171: {  	s22 =	sadd.s32 $0x3, s18;
	v18 =	vmul.bf16 v18, v22;
	v19 =	vmul.bf16 v17, v15;
	v16 =	vld [tilespmem:s17+$0xFFFFFF90];
	(xrf2) =	vadd.scan.msk.f32 $0xffff, v6  }
0x172: {  	s20 =	sadd.s32 $0x4, s20;
	s21 =	sadd.s32 $0x2, s18;
	v17 =	vmov s18;
	s19 =	sadd.s32 $0x100, s19;
	v6 =	vmov s22;
	v15 =	vld [tilespmem:s17+$0x50];
	v7, _, _ =	vpop (xrf2)  }
0x173: {  	_ = 	snop  }
0x174: {  	v8 =	vmul.bf16 v9, v8;
	v45 =	vmul.bf16 v11, v10  }
0x175: {  	v18 =	vadd.bf16 v19, v18;
	v2 =	vmul.bf16 v3, v2  }
0x176: {  	v46 =	vmul.bf16 v14, v12;
	v8 =	vadd.bf16 v45, v8;
	v47 =	vmul.bf16 v16, v13  }
0x177: {  	v48 =	vunpack.i.u.bf16.f32 v18;
	v49 =	vunpack.i.l.bf16.f32 v18;
	v4 =	vmul.bf16 v15, v4  }
0x178: {  	v51 =	vunpack.i.u.bf16.f32 v8;
	v8 =	vunpack.i.l.bf16.f32 v8;
	v3 =	vadd.bf16 v47, v46  }
0x179: {  	v50 =	vadd.f32 v49, v48;
	v8 =	vadd.f32 v8, v51  }
0x17a: {  	v2 =	vadd.bf16 v4, v2;
	v52 =	vunpack.i.u.bf16.f32 v3;
	v3 =	vunpack.i.l.bf16.f32 v3  }
0x17b: {  	(xrf2) =	vadd.scan.msk.f32 $0xffff, v50;
	v3 =	vadd.f32 v3, v52  }
0x17c: {  	(xrf2) =	vadd.scan.msk.f32 $0xffff, v8;
	v4 =	vunpack.i.u.bf16.f32 v2;
	v2 =	vunpack.i.l.bf16.f32 v2  }
0x17d: {  	v2 =	vadd.f32 v2, v4;
	(xrf2) =	vadd.scan.msk.f32 $0xffff, v3;
	_ =	sdelay $0x2  }
0x17e: {  	v3, _, _ =	vpop (xrf2);
	(xrf2) =	vadd.scan.msk.f32 $0xffff, v2  }
0x17f: {  	v2, _, _ =	vpop (xrf2)  }
0x180: {  	vm0 =	veq.s32 v17, v0;
	s17 =	sadd.s32 $0x1, s18;
	v2 =	vbroadcast v2, $0xF  }
0x181: {  	v53 =	vmov s21;
	v54 =	vmov s17;
	v3 =	vbroadcast v3, $0xF  }
0x182: {  	v56 =	vbroadcast v7, $0xF;
	vm1 =	veq.s32 v54, v0;
	v55, _, _ =	vpop (xrf2);
	v2 =	vsel vm0, v2, v5  }
0x183: {  	vm10 =	veq.s32 v53, v0;
	v57, _, _ =	vpop (xrf2);
	v2 =	vsel vm1, v3, v2;
	v3 =	vbroadcast v55, $0xF  }
0x184: {  	vm11 =	veq.s32 v6, v0;
	v58, _, _ =	vpop (xrf2);
	v2 =	vsel vm10, v56, v2  }
0x185: {  	s20 =	sadd.s32 $0x3, s16;
	s21 =	sadd.s32 $0x2, s16;
	v2 =	vsel vm11, v3, v2;
	v3 =	vmov s16;
	v59, _, _ =	vpop (xrf2)  }
0x186: {  	s22 =	sadd.s32 $0x1, s16;
	s23 =	sshll.u32 s15, $0x4;
	s15 =	sadd.s32 $0x1, s15;
	v60 =	vmov s20;
	vm12 =	veq.s32 v3, v0;
	v3 =	vbroadcast v59, $0xF  }
0x187: {  	v61 =	vmov s21;
	v62 =	vmov s22;
	p0 =	sne.s32 s15, $0x5;
	v5 =	vbroadcast v58, $0xF  }
.Ltmp15:
0x188: {  	vm13 =	veq.s32 v62, v0;
	v63, _, _ =	vpop (xrf2);
	v2 =	vsel vm12, v3, v2;
	v3 =	vbroadcast v57, $0xF;
	(pc) =	sbr.rel @p0 .LBB2_21-.Ltmp15, $4  }
0x189: {  	vm14 =	veq.s32 v61, v0;
	v4 =	vbroadcast v63, $0xF;
	v2 =	vsel vm13, v5, v2  }
0x18a: {  	vm15 =	veq.s32 v60, v0;
	v2 =	vsel vm14, v3, v2  }
0x18b: {  	s16 =	sand.u32 $0x3FFFFFF0, s23;
	v2 =	vsel vm15, v4, v2  }
0x18c: {  	s13 =	sadd.s32 $0x400, s13;
	s14 =	sadd.s32 $0x400, s14;
	[tilespmem:v1+s16+$0x0 ss:$0x1] =	vst.idx.msk $0xffff, v2  }
.Ltmp16:
0x18d: {  	p0 =	sgt.u32 s31, $0x1D;
	(pc) =	sbr.rel .LBB2_25-.Ltmp16, $4  }
0x18e: {  	s0 =	sadd.s32 @!p0 $0x230, s1;
	s13 =	simm.s32 @!p0 $0x50;
	s14 =	simm.s32 @!p0 $0xC620  }
0x18f: {  	[tilespmem:s14], [sflag:$0x4] =	stream.indirect.gather @!p0 [hbm4b:s2+s13], $0x40, s0, s13, $0xb8;
	[tilespmem:$0x11530] =	vst v63  }
0x190: {  	s0 =	sadd.s32 @!p0 $0x2940, s1;
	s1 =	simm.s32 @!p0 $0xDA20  }
0x191: {  	[tilespmem:s1], [sflag:$0x4] =	stream.indirect.gather @!p0 [hbm4b:s2+s13], $0x40, s0, s13, $0xb8;
	[tilespmem:$0x11530] =	vst v63  }
.LBB2_27:
0x192: {  	_ =	sfence.sel $0x180000  }
0x193: {  	[bflag:$0x0] =	sbarrier.arrive $0xFFFF  }
0x194: {  	_ =	strace $0x90000047  }
0x195: {  	s0 =	stileid.u32;
	[bflag:$0x2] =	sbarrier.arrive $0xFFFF  }
0x196: {  	p0 =	sne.s32 s0, $0x0;
	s0 =	rddreg [dreg:$0x2]  }
0x197: {  	s0 =	sadd.s32 @!p0 $0x100000, s0  }
0x198: {  	[sflag:s0] =	ssyncadd.tile.s32 @!p0 $0x1;
	_ =	shalt  }
.Lfunc_end2:
_tile_overlayer_lowered:
.L_overlay_start_2:
0x199: {  	(tag) =	ssettag $0x2  }
0x19a: {  	s0 =	rddreg [dreg:$0x0];
	s2 =	stileid.u32  }
0x19b: {  	s1 =	rddreg [dreg:$0x1];
	p0 =	sne.s32 s2, $0x0  }
0x19c: {  	s3 =	rddreg [dreg:$0x2];
	[bflag:$0x3] =	sbarrier.arrive $0xFFFF;
	s2 =	simm.s32 @!p0 $0x1C05  }
0x19d: {  	[timem:s3], [sflag:s2] =	dma.local @!p0 [hbm:s0], s1  }
0x19e: {  	s0 =	simm.s32 @!p0 $0x5  }
0x19f: {  	_ =	swait.ge @!p0 [sflag:s0], s1  }
0x1a0: {  	s1 =	ssub.s32 @!p0 $0x0, s1;
	[sflag:s0] =	ssyncset.done @!p0 $0x0  }
0x1a1: {  	[sflag:s0] =	ssyncadd.s32 @!p0 s1  }
0x1a2: {  	[bflag:$0x3] =	sbarrier.arrive $0xFFFF  }
0x1a3: {  	_ =	shalt  }

</sc_bundles>
